<compile_context>
chip_gen: v7x
topology: tpu7x:2x2x1
jax: 0.10.2.dev20260603
libtpu: 0.0.44.dev20260713+nightly
codegen_flags: <defaults>
</compile_context>

<pallas_src>
import functools

import jax
import jax.numpy as jnp
import numpy as np
from jax import lax
from jax.experimental import pallas as pl
from jax.experimental.pallas import tpu as pltpu
from jax.experimental.pallas import tpu_sc as plsc

S, V, L = 128, 16, 8
TEMB = 128
NRBF = 16
D = S + 6 * V + 5 * L
N_NODES = 10000
N_EDGES = 160000

NPAD = 10240
EPAD = 163840
CH = 128
NW_SC = 32
DUMP = NPAD
SPROWS = 10256
HALF = 144
WS = 288
WD = 160
BE = 512
BN = 256
NBUF_G = 3
NBUF_S = 2

_SQRT3 = float(np.sqrt(3.0))
_C15 = float(np.sqrt(15.0))
_C5H = float(np.sqrt(5.0) / 2.0)

def _make_perm():
    p = list(range(S))
    for k in range(3):
        for v in range(V):
            p.append(S + 3 * v + k)
    for k in range(3):
        for v in range(V):
            p.append(S + 3 * V + 3 * v + k)
    for k in range(5):
        for l in range(L):
            p.append(S + 6 * V + 5 * l + k)
    return np.array(p, dtype=np.int32)

_PERM = _make_perm()
_INVPERM = np.argsort(_PERM).astype(np.int32)


def _k0_body(h0_ref, te_ref, co_ref, whd_ref, wte_ref, b1_ref, out_ref):
    bf16 = jnp.bfloat16
    pre = (jnp.dot(h0_ref[...].astype(bf16), whd_ref[...].astype(bf16),
                   preferred_element_type=jnp.float32)
           + jnp.dot(te_ref[...].astype(bf16), wte_ref[...].astype(bf16),
                     preferred_element_type=jnp.float32)
           + b1_ref[...])
    out_ref[:, 0:128] = pre.astype(jnp.bfloat16)
    out_ref[:, 128:136] = co_ref[...].astype(jnp.bfloat16)
    out_ref[:, 136:WD] = jnp.zeros((BN, WD - 136), jnp.bfloat16)


def _node_pre(h0, te, co8, w_hd, w_te, b1f):
    grid = NPAD // BN
    return pl.pallas_call(
        _k0_body,
        grid=(grid,),
        in_specs=[
            pl.BlockSpec((BN, 128), lambda i: (i, 0)),
            pl.BlockSpec((BN, 128), lambda i: (i, 0)),
            pl.BlockSpec((BN, 8), lambda i: (i, 0)),
            pl.BlockSpec((128, 128), lambda i: (0, 0)),
            pl.BlockSpec((128, 128), lambda i: (0, 0)),
            pl.BlockSpec((1, 128), lambda i: (0, 0)),
        ],
        out_specs=pl.BlockSpec((BN, WD), lambda i: (i, 0)),
        out_shape=jax.ShapeDtypeStruct((NPAD, WD), jnp.bfloat16),
        interpret=False,
    )(h0, te, co8, w_hd, w_te, b1f)


def _sc_gather(ts, td, srcp, dstp):
    mesh = plsc.VectorSubcoreMesh(core_axis_name="c", subcore_axis_name="s",
                                  num_cores=2, num_subcores=16)
    per_w = EPAD // NW_SC
    n_ch = per_w // CH

    @functools.partial(
        pl.kernel,
        out_type=(jax.ShapeDtypeStruct((EPAD, WS), jnp.bfloat16),
                  jax.ShapeDtypeStruct((EPAD, WD), jnp.bfloat16)),
        mesh=mesh,
        compiler_params=pltpu.CompilerParams(use_tc_tiling_on_sc=False),
        scratch_types=(
            [pltpu.VMEM((n_ch, CH), jnp.int32),
             pltpu.VMEM((n_ch, CH), jnp.int32)]
            + [pltpu.VMEM((CH, WS), jnp.bfloat16) for _ in range(NBUF_G)]
            + [pltpu.VMEM((CH, WD), jnp.bfloat16) for _ in range(NBUF_G)]
            + [pltpu.SemaphoreType.DMA for _ in range(2 * NBUF_G)]
        ),
    )
    def k(ts_hbm, td_hbm, src_hbm, dst_hbm, gs_hbm, gd_hbm,
          idxs_v, idxd_v, *bufs):
        rows_s = bufs[0:NBUF_G]
        rows_d = bufs[NBUF_G:2 * NBUF_G]
        gsem = bufs[2 * NBUF_G:3 * NBUF_G]
        wsem = bufs[3 * NBUF_G:4 * NBUF_G]
        wid = lax.axis_index("s") * 2 + lax.axis_index("c")
        base = wid * per_w

        pltpu.sync_copy(src_hbm.at[wid], idxs_v)
        pltpu.sync_copy(dst_hbm.at[wid], idxd_v)

        def start_gather(ch, b):
            pltpu.async_copy(ts_hbm.at[idxs_v.at[ch]], rows_s[b], gsem[b])
            pltpu.async_copy(td_hbm.at[idxd_v.at[ch]], rows_d[b], gsem[b])

        def wait_gather(b):
            pltpu.make_async_copy(ts_hbm.at[idxs_v.at[0]], rows_s[b], gsem[b]).wait()
            pltpu.make_async_copy(td_hbm.at[idxd_v.at[0]], rows_d[b], gsem[b]).wait()

        def start_write(ch, b):
            off = base + ch * CH
            pltpu.async_copy(rows_s[b], gs_hbm.at[pl.ds(off, CH)], wsem[b])
            pltpu.async_copy(rows_d[b], gd_hbm.at[pl.ds(off, CH)], wsem[b])

        def wait_write(b):
            pltpu.make_async_copy(rows_s[b], gs_hbm.at[pl.ds(0, CH)], wsem[b]).wait()
            pltpu.make_async_copy(rows_d[b], gd_hbm.at[pl.ds(0, CH)], wsem[b]).wait()

        for b in range(NBUF_G):
            start_gather(b, b)

        n_out = (n_ch + NBUF_G - 1) // NBUF_G

        def body(j, carry):
            for b in range(NBUF_G):
                ch = j * NBUF_G + b

                @pl.when(ch < n_ch)
                def _():
                    wait_gather(b)
                    start_write(ch, b)
                    wait_write(b)

                    @pl.when(ch + NBUF_G < n_ch)
                    def _():
                        start_gather(ch + NBUF_G, b)

            return carry

        lax.fori_loop(0, n_out, body, 0)

    return k(ts, td, srcp, dstp)


def _k2_body(gs_ref, gd_ref, at_ref, vals_ref, sel_ref, sw32_ref, swref_ref,
             swrbf_ref, whs_ref, w2b_ref, b2b_ref, msvle_ref, r1e_ref,
             r2e_ref, tuf1_ref, tuf2_ref, tm7_ref, tsum_ref, mvs_ref,
             outa_ref, outb_ref):
    f32 = jnp.float32
    bf16 = jnp.bfloat16
    Gsb = gs_ref[...]
    Gs = Gsb.astype(f32)
    Gd = gd_ref[...].astype(f32)
    at = at_ref[...]
    h0s = Gs[:, 0:128]
    h0s_b = Gsb[:, 0:128]
    H1O_b = Gsb[:, 128:176]
    cs = Gs[:, 264:267]
    cd = Gd[:, 128:131]
    diff = cd - cs
    r2 = jnp.sum(diff * diff, axis=1, keepdims=True)
    dist = jnp.sqrt(r2)
    u = diff / (dist + 1e-9)

    centers = lax.broadcasted_iota(jnp.int32, (BE, NRBF), 1).astype(f32) * (5.0 / (NRBF - 1))
    width = 5.0 / NRBF
    rbf = jnp.exp(-(((dist - centers) / width) ** 2))

    spread = jnp.dot(at, sel_ref[...], preferred_element_type=f32)
    oh32 = (spread == vals_ref[...]).astype(f32)
    refd = at[:, 5:6]
    dd = dist - refd
    has = (refd > 0).astype(f32)
    eref3 = jnp.concatenate([jnp.abs(dd), dd, has], axis=1)

    hid_in = (jnp.dot(oh32, sw32_ref[...], preferred_element_type=f32)
              + jnp.dot(eref3, swref_ref[...], preferred_element_type=f32)
              + jnp.dot(rbf, swrbf_ref[...], preferred_element_type=f32)
              + jnp.dot(h0s_b, whs_ref[...], preferred_element_type=f32)
              + Gd[:, 0:128])
    hid = hid_in * (1.0 / (1.0 + jnp.exp(-hid_in)))
    w = jnp.dot(hid.astype(bf16), w2b_ref[...],
                preferred_element_type=f32) + b2b_ref[...]

    H1O = Gs[:, 128:176]
    HL = Gs[:, 128:264]
    urot = jnp.concatenate([u[:, 1:3], u[:, 0:1]], axis=1)
    m7 = jnp.concatenate([u * u, u * urot, jnp.ones((BE, 1), f32)], axis=1)
    E1 = (jnp.dot(h0s_b, msvle_ref[...], preferred_element_type=f32)
          + jnp.dot(H1O_b, r1e_ref[...], preferred_element_type=f32))
    E2 = jnp.dot(H1O_b, r2e_ref[...], preferred_element_type=f32)
    F1 = (jnp.dot(u, tuf1_ref[...], preferred_element_type=f32)
          + jnp.dot(m7, tm7_ref[...], preferred_element_type=f32))
    F2 = jnp.dot(u, tuf2_ref[...], preferred_element_type=f32)
    Q = E1 * F1 - E2 * F2
    A1 = w[:, 128:264]
    A2 = w[:, 264:400]
    msgL = A1 * HL + A2 * Q

    D = H1O * F1[:, 0:48]
    dot1 = jnp.dot(D, tsum_ref[...], preferred_element_type=f32)
    wc = w[:, 400:416]
    msg0 = w[:, 0:128] * h0s + jnp.dot(wc * dot1, mvs_ref[...],
                                       preferred_element_type=f32)

    q = 0.25
    outa_ref[:, 0:128] = q * msg0
    outa_ref[:, 128:144] = jnp.zeros((BE, 16), f32)
    outb_ref[:, 0:136] = q * msgL
    outb_ref[:, 136:144] = jnp.zeros((BE, 8), f32)


def _edge_compute(gs, gd, attr, vals, sel, sw32, swref, swrbf, w_hs,
                  w2b, b2b, msvle, r1e, r2e, tuf1, tuf2, tm7, tsum, m_vs):
    grid = EPAD // BE
    const = lambda shape: pl.BlockSpec(shape, lambda i: (0,) * len(shape))
    return pl.pallas_call(
        _k2_body,
        grid=(grid,),
        in_specs=[
            pl.BlockSpec((BE, WS), lambda i: (i, 0)),
            pl.BlockSpec((BE, WD), lambda i: (i, 0)),
            pl.BlockSpec((BE, 8), lambda i: (i, 0)),
            const((1, 32)), const((8, 32)), const((32, 128)),
            const((3, 128)), const((16, 128)), const((128, 128)),
            const((128, 416)), const((1, 416)), const((128, 136)),
            const((48, 136)), const((48, 136)), const((3, 136)),
            const((3, 136)), const((7, 136)), const((48, 16)),
            const((16, 128)),
        ],
        out_specs=[
            pl.BlockSpec((BE, HALF), lambda i: (i, 0)),
            pl.BlockSpec((BE, HALF), lambda i: (i, 0)),
        ],
        out_shape=[
            jax.ShapeDtypeStruct((EPAD, HALF), jnp.float32),
            jax.ShapeDtypeStruct((EPAD, HALF), jnp.float32),
        ],
        interpret=False,
    )(gs, gd, attr, vals, sel, sw32, swref, swrbf, w_hs, w2b, b2b,
      msvle, r1e, r2e, tuf1, tuf2, tm7, tsum, m_vs)


def _sc_scatter(msga, msgb, dstp, zrows):
    mesh = plsc.VectorSubcoreMesh(core_axis_name="c", subcore_axis_name="s",
                                  num_cores=2, num_subcores=16)
    per_t = EPAD // 16
    n_ch = per_t // CH
    zch = SPROWS // 16
    out_ch = NPAD // CH // 16

    iblk = 8

    @functools.partial(
        pl.kernel,
        out_type=(jax.ShapeDtypeStruct((NPAD, HALF), jnp.float32),
                  jax.ShapeDtypeStruct((NPAD, HALF), jnp.float32)),
        mesh=mesh,
        compiler_params=pltpu.CompilerParams(use_tc_tiling_on_sc=False),
        scratch_types=(
            [pltpu.VMEM((iblk, CH), jnp.int32)]
            + [pltpu.VMEM((CH, HALF), jnp.float32) for _ in range(NBUF_S)]
            + [pltpu.VMEM_SHARED((SPROWS, HALF), jnp.float32)]
            + [pltpu.SemaphoreType.DMA for _ in range(NBUF_S)]
        ),
    )
    def k(ma_hbm, mb_hbm, dst_hbm, z_hbm, outa_hbm, outb_hbm,
          idx_v, *bufs):
        rows = bufs[0:NBUF_S]
        acc_sh = bufs[NBUF_S]
        rsem = bufs[NBUF_S + 1:2 * NBUF_S + 1]
        c = lax.axis_index("c")
        t = lax.axis_index("s")
        pltpu.sync_copy(z_hbm, acc_sh.at[pl.ds(t * zch, zch)])
        plsc.subcore_barrier()

        base = t * per_t

        def start_read(ch, b):
            off = base + ch * CH

            @pl.when(c == 0)
            def _():
                pltpu.async_copy(ma_hbm.at[pl.ds(off, CH)], rows[b], rsem[b])

            @pl.when(c == 1)
            def _():
                pltpu.async_copy(mb_hbm.at[pl.ds(off, CH)], rows[b], rsem[b])

        def wait_read(b):
            pltpu.make_async_copy(ma_hbm.at[pl.ds(0, CH)], rows[b], rsem[b]).wait()

        pltpu.sync_copy(dst_hbm.at[t, pl.ds(0, iblk)], idx_v)
        for b in range(NBUF_S):
            start_read(b, b)

        n_it = n_ch // NBUF_S
        per_blk = iblk // NBUF_S

        def body(j, carry):
            for b in range(NBUF_S):
                ch = j * NBUF_S + b
                row = (j % per_blk) * NBUF_S + b
                wait_read(b)
                pltpu.sync_copy(rows[b], acc_sh.at[idx_v.at[row]], add=True)

                @pl.when(ch + NBUF_S < n_ch)
                def _():
                    start_read(ch + NBUF_S, b)

            nxt = (j + 1) * NBUF_S

            @pl.when((nxt % iblk == 0) & (nxt < n_ch))
            def _():
                pltpu.sync_copy(dst_hbm.at[t, pl.ds(nxt, iblk)], idx_v)

            return carry

        lax.fori_loop(0, n_it, body, 0)
        plsc.subcore_barrier()

        def wbody(i, carry):
            cidx = t + i * 16

            @pl.when(c == 0)
            def _():
                pltpu.sync_copy(acc_sh.at[pl.ds(cidx * CH, CH)],
                                outa_hbm.at[pl.ds(cidx * CH, CH)])

            @pl.when(c == 1)
            def _():
                pltpu.sync_copy(acc_sh.at[pl.ds(cidx * CH, CH)],
                                outb_hbm.at[pl.ds(cidx * CH, CH)])

            return carry

        lax.fori_loop(0, out_ch, wbody, 0)

    return k(msga, msgb, dstp, zrows)


def _k4_body(aa_ref, ab_ref, hk_ref, te_ref, pa_ref, pb_ref, aw_ref, ab2_ref,
             out_ref):
    A = aa_ref[...]
    Bm = ab_ref[...]
    H = hk_ref[...]
    T = te_ref[...]
    U = (jnp.dot(A, pa_ref[...], preferred_element_type=jnp.float32)
         + jnp.dot(Bm, pb_ref[...], preferred_element_type=jnp.float32))
    u0 = U[:, 0:128]
    u0 = u0 * (1.0 / (1.0 + jnp.exp(-u0)))
    hn0 = H[:, 0:128] + u0
    hn1 = H[:, 128:264] + U[:, 128:264]

    p = jnp.dot(T, aw_ref[...], preferred_element_type=jnp.float32) + ab2_ref[...]
    scale = p[:, 0:128]
    shift = p[:, 128:256]
    g1o = p[:, 256:272]
    g1e = p[:, 272:288]
    g2 = p[:, 288:296]

    mu = jnp.mean(hn0, axis=1, keepdims=True)
    xc = hn0 - mu
    var = jnp.mean(xc * xc, axis=1, keepdims=True)
    o0 = xc * lax.rsqrt(var + 1e-5) * (1.0 + scale) + shift

    b1o = hn1[:, 0:48]
    b1e = hn1[:, 48:96]
    b2_ = hn1[:, 96:136]
    n1o = jnp.sqrt(jnp.sum(b1o * b1o, axis=1, keepdims=True) / 16.0 + 1e-5)
    n1e = jnp.sqrt(jnp.sum(b1e * b1e, axis=1, keepdims=True) / 16.0 + 1e-5)
    n2 = jnp.sqrt(jnp.sum(b2_ * b2_, axis=1, keepdims=True) / 8.0 + 1e-5)
    g1o3 = jnp.concatenate([1.0 + g1o] * 3, axis=1)
    g1e3 = jnp.concatenate([1.0 + g1e] * 3, axis=1)
    g25 = jnp.concatenate([1.0 + g2] * 5, axis=1)

    out_ref[:, 0:128] = o0
    out_ref[:, 128:176] = b1o / n1o * g1o3
    out_ref[:, 176:224] = b1e / n1e * g1e3
    out_ref[:, 224:264] = b2_ / n2 * g25


def _node_update(agga, aggb, hk, te, pa, pb, aw, ab2):
    grid = NPAD // BN
    return pl.pallas_call(
        _k4_body,
        grid=(grid,),
        in_specs=[
            pl.BlockSpec((BN, HALF), lambda i: (i, 0)),
            pl.BlockSpec((BN, HALF), lambda i: (i, 0)),
            pl.BlockSpec((BN, 264), lambda i: (i, 0)),
            pl.BlockSpec((BN, 128), lambda i: (i, 0)),
            pl.BlockSpec((HALF, 264), lambda i: (0, 0)),
            pl.BlockSpec((HALF, 264), lambda i: (0, 0)),
            pl.BlockSpec((128, 296), lambda i: (0, 0)),
            pl.BlockSpec((1, 296), lambda i: (0, 0)),
        ],
        out_specs=pl.BlockSpec((BN, 264), lambda i: (i, 0)),
        out_shape=jax.ShapeDtypeStruct((NPAD, 264), jnp.float32),
        interpret=False,
    )(agga, aggb, hk, te, pa, pb, aw, ab2)


def kernel(h, coords, edge_index, edge_type, edge_bond_type,
           edge_bond_conjugated, edge_bond_in_ring, edge_bond_stereo,
           edge_ref_dist, t_emb, E_type, E_bt, E_conj, E_ring, E_st,
           ref_W, ref_b, mlp_W1, mlp_b1, mlp_W2, mlp_b2,
           M_sv, M_vs, M_sl, P0, P1o, P1e, P2, A_W, A_b):
    f32 = jnp.float32
    bf16 = jnp.bfloat16
    n = h.shape[0]
    e = edge_index.shape[1]

    h_k = h[:, _PERM]
    h_kp = jnp.pad(h_k, ((0, NPAD - n), (0, 0)))
    co8 = jnp.pad(coords.astype(f32), ((0, NPAD - n), (0, 5)))
    te_p = jnp.pad(t_emb, ((0, NPAD - n), (0, 0)))
    tsrc = jnp.concatenate(
        [h_kp.astype(bf16), co8.astype(bf16),
         jnp.zeros((NPAD, WS - 272), bf16)], axis=1)

    src = edge_index[0].astype(jnp.int32)
    dst = edge_index[1].astype(jnp.int32)
    per_w = EPAD // NW_SC
    srcp = jnp.pad(src, (0, EPAD - e)).reshape(NW_SC, per_w // CH, CH)
    dst_g = jnp.pad(dst, (0, EPAD - e)).reshape(NW_SC, per_w // CH, CH)
    per_t = EPAD // 16
    dst_s = jnp.pad(dst, (0, EPAD - e),
                    constant_values=DUMP).reshape(16, per_t // CH, CH)

    attr = jnp.concatenate([
        edge_type[:, None].astype(f32),
        edge_bond_type[:, None].astype(f32),
        edge_bond_conjugated[:, None].astype(f32),
        edge_bond_in_ring[:, None].astype(f32),
        edge_bond_stereo[:, None].astype(f32),
        edge_ref_dist[:, None].astype(f32),
        jnp.zeros((e, 2), f32),
    ], axis=1)
    attr = jnp.pad(attr, ((0, EPAD - e), (0, 0)))

    w1_rbf = mlp_W1[0:16]
    w1_et = mlp_W1[16:32]
    w1_bt = mlp_W1[32:40]
    w1_cj = mlp_W1[40:44]
    w1_rg = mlp_W1[44:48]
    w1_st = mlp_W1[48:52]
    w1_rf = mlp_W1[52:60]
    w1_hs = mlp_W1[60:188]
    w1_hd = mlp_W1[188:316]
    w1_te = mlp_W1[316:444]
    sw32 = jnp.concatenate([
        E_type @ w1_et, E_bt @ w1_bt, E_conj @ w1_cj, E_ring @ w1_rg,
        E_st @ w1_st, jnp.zeros((6, 128), f32),
    ], axis=0)
    swref = ref_W @ w1_rf
    b1f = (mlp_b1 + ref_b @ w1_rf)[None, :]

    seln = np.zeros((8, 32), np.float32)
    valn = np.zeros((1, 32), np.float32)
    _offs = [(0, 0, 9), (1, 9, 6), (2, 15, 3), (3, 18, 3), (4, 21, 5)]
    for col, off, kk in _offs:
        for j in range(kk):
            seln[col, off + j] = 1.0
            valn[0, off + j] = float(j)
    for j in range(26, 32):
        seln[6, j] = 1.0
        valn[0, j] = -1.0
    sel = jnp.asarray(seln)
    vals = jnp.asarray(valn)

    expn = np.zeros((224, 416), np.float32)
    for j in range(128):
        expn[j, j] = 1.0
    for k in range(3):
        for v in range(16):
            expn[144 + v, 128 + 16 * k + v] = 1.0
            expn[176 + v, 176 + 16 * k + v] = 1.0
            expn[128 + v, 264 + 16 * k + v] = 1.0
            expn[192 + v, 312 + 16 * k + v] = 1.0
    for k in range(5):
        for l in range(8):
            expn[208 + l, 224 + 8 * k + l] = 1.0
            expn[216 + l, 360 + 8 * k + l] = 1.0
    for v in range(16):
        expn[160 + v, 400 + v] = 1.0
    expj = jnp.asarray(expn)
    w2b = mlp_W2 @ expj
    b2b = (mlp_b2 @ expj)[None, :]

    tile_sv = np.zeros((16, 48), np.float32)
    for k in range(3):
        for v in range(16):
            tile_sv[v, 16 * k + v] = 1.0
    tile_sl = np.zeros((8, 40), np.float32)
    for k in range(5):
        for l in range(8):
            tile_sl[l, 8 * k + l] = 1.0
    msvle = jnp.concatenate([
        M_sv @ jnp.asarray(tile_sv), jnp.zeros((128, 48), f32),
        M_sl @ jnp.asarray(tile_sl)], axis=1)

    r1n = np.zeros((48, 136), np.float32)
    r2n = np.zeros((48, 136), np.float32)
    for k in range(3):
        for v in range(16):
            r1n[16 * ((k + 1) % 3) + v, 48 + 16 * k + v] = 1.0
            r2n[16 * ((k + 2) % 3) + v, 48 + 16 * k + v] = 1.0
    r1e = jnp.asarray(r1n)
    r2e = jnp.asarray(r2n)

    t1n = np.zeros((3, 136), np.float32)
    t2n = np.zeros((3, 136), np.float32)
    for k in range(3):
        for v in range(16):
            t1n[k, 16 * k + v] = _SQRT3
            t1n[(k + 2) % 3, 48 + 16 * k + v] = _SQRT3
            t2n[(k + 1) % 3, 48 + 16 * k + v] = _SQRT3
    tuf1 = jnp.asarray(t1n)
    tuf2 = jnp.asarray(t2n)

    tmn = np.zeros((7, 136), np.float32)
    y2rows = [
        {3: _C15},
        {4: _C15},
        {2: 3.0 * _C5H, 6: -_C5H},
        {5: _C15},
        {0: _C15 / 2.0, 1: -_C15 / 2.0},
    ]
    for k in range(5):
        for row, coef in y2rows[k].items():
            for l in range(8):
                tmn[row, 96 + 8 * k + l] = coef
    tm7 = jnp.asarray(tmn)

    tsn = np.zeros((48, 16), np.float32)
    for k in range(3):
        for v in range(16):
            tsn[16 * k + v, v] = 1.0
    tsum = jnp.asarray(tsn)

    pbig = jax.scipy.linalg.block_diag(
        P0, P1o, P1o, P1o, P1e, P1e, P1e, P2, P2, P2, P2, P2)
    pa = jnp.pad(pbig[0:128], ((0, HALF - 128), (0, 0)))
    pb = jnp.pad(pbig[128:264], ((0, HALF - 136), (0, 0)))
    ab2 = A_b[None, :]
    zrows = jnp.zeros((SPROWS // 16, HALF), f32)

    tdst = _node_pre(h_kp[:, 0:128], te_p, co8, w1_hd, w1_te, b1f)
    gs, gd = _sc_gather(tsrc, tdst, srcp, dst_g)
    msga, msgb = _edge_compute(gs, gd, attr, vals, sel, sw32, swref, w1_rbf,
                               w1_hs.astype(bf16), w2b.astype(bf16), b2b,
                               msvle.astype(bf16), r1e.astype(bf16),
                               r2e.astype(bf16), tuf1, tuf2,
                               tm7, tsum, M_vs)
    agga, aggb = _sc_scatter(msga, msgb, dst_s, zrows)
    out_k = _node_update(agga, aggb, h_kp, te_p, pa, pb, A_W, ab2)
    return out_k[:n][:, _INVPERM]

# --- scband reference (transcript-rebuilt; emitter-appended) ---
"""Pipeline reference for scband-unified-interaction-layer-30777735643334 (READ-ONLY COPY).

The authoritative reference and input builder live on the scoring server;
editing this copy changes nothing except your own understanding.
"""

import jax, jax.numpy as jnp
import numpy as np

S, V, L = 128, 16, 8
TEMB = 128
NRBF = 16
N_NODES = 10000
N_EDGES = 160000
D = S + 6 * V + 5 * L  # 264
EDGE_SCALAR_DIM = NRBF + 16 + 20 + 8 + S + S + TEMB  # 444
NW = S + 5 * V + 2 * L  # 224 per-edge TP path weights


def rbf_encode(d, n_rbf):
    centers = jnp.linspace(0.0, 5.0, n_rbf)
    width = 5.0 / n_rbf
    return jnp.exp(-(((d[:, None] - centers[None, :]) / width) ** 2))


def sph_harm(diff):
    r = jnp.linalg.norm(diff, axis=-1, keepdims=True)
    u = diff / (r + 1e-9)
    x, y, z = u[:, 0], u[:, 1], u[:, 2]
    y1 = np.sqrt(3.0) * u
    c = np.sqrt(15.0)
    y2 = jnp.stack([c * x * y, c * y * z, (np.sqrt(5.0) / 2.0) * (3.0 * z * z - 1.0), c * x * z, (c / 2.0) * (x * x - y * y)], axis=-1)
    return y1, y2


def split_irreps(h):
    h0 = h[:, :S]
    h1o = h[:, S:S + 3 * V].reshape(-1, V, 3)
    h1e = h[:, S + 3 * V:S + 6 * V].reshape(-1, V, 3)
    h2 = h[:, S + 6 * V:].reshape(-1, L, 5)
    return h0, h1o, h1e, h2


def merge_irreps(h0, h1o, h1e, h2):
    n = h0.shape[0]
    return jnp.concatenate([h0, h1o.reshape(n, -1), h1e.reshape(n, -1), h2.reshape(n, -1)], axis=-1)


def setup_inputs(seed: int = 0):
    key = jax.random.key(seed)
    ks = jax.random.split(key, 32)
    inp = {}
    inp['h'] = jax.random.normal(ks[0], (N_NODES, D), dtype=jnp.float32)
    inp['coords'] = jax.random.normal(ks[1], (N_NODES, 3), dtype=jnp.float32)
    inp['edge_index'] = jax.random.randint(ks[2], (2, N_EDGES), 0, N_NODES)
    inp['edge_type'] = jax.random.randint(ks[3], (N_EDGES,), 0, 9)
    inp['edge_bond_type'] = jax.random.randint(ks[4], (N_EDGES,), 0, 6)
    inp['edge_bond_conjugated'] = jax.random.randint(ks[5], (N_EDGES,), 0, 3)
    inp['edge_bond_in_ring'] = jax.random.randint(ks[6], (N_EDGES,), 0, 3)
    inp['edge_bond_stereo'] = jax.random.randint(ks[7], (N_EDGES,), 0, 5)
    inp['edge_ref_dist'] = jax.random.uniform(ks[8], (N_EDGES,), dtype=jnp.float32) * 2.0
    inp['t_emb'] = jax.random.normal(ks[9], (N_NODES, TEMB), dtype=jnp.float32)
    inp['E_type'] = jax.random.normal(ks[10], (9, 16), dtype=jnp.float32)
    inp['E_bt'] = jax.random.normal(ks[11], (6, 8), dtype=jnp.float32)
    inp['E_conj'] = jax.random.normal(ks[12], (3, 4), dtype=jnp.float32)
    inp['E_ring'] = jax.random.normal(ks[13], (3, 4), dtype=jnp.float32)
    inp['E_st'] = jax.random.normal(ks[14], (5, 4), dtype=jnp.float32)
    inp['ref_W'] = jax.random.normal(ks[15], (3, 8), dtype=jnp.float32) / np.sqrt(3.0)
    inp['ref_b'] = jnp.zeros((8,), dtype=jnp.float32)
    inp['mlp_W1'] = jax.random.normal(ks[16], (EDGE_SCALAR_DIM, 128), dtype=jnp.float32) / np.sqrt(float(EDGE_SCALAR_DIM))
    inp['mlp_b1'] = jnp.zeros((128,), dtype=jnp.float32)
    inp['mlp_W2'] = jax.random.normal(ks[17], (128, NW), dtype=jnp.float32) / np.sqrt(128.0)
    inp['mlp_b2'] = jnp.zeros((NW,), dtype=jnp.float32)
    inp['M_sv'] = jax.random.normal(ks[18], (S, V), dtype=jnp.float32) / np.sqrt(float(S))
    inp['M_vs'] = jax.random.normal(ks[19], (V, S), dtype=jnp.float32) / np.sqrt(float(V))
    inp['M_sl'] = jax.random.normal(ks[20], (S, L), dtype=jnp.float32) / np.sqrt(float(S))
    inp['P0'] = jax.random.normal(ks[21], (S, S), dtype=jnp.float32) / np.sqrt(float(S))
    inp['P1o'] = jax.random.normal(ks[22], (V, V), dtype=jnp.float32) / np.sqrt(float(V))
    inp['P1e'] = jax.random.normal(ks[23], (V, V), dtype=jnp.float32) / np.sqrt(float(V))
    inp['P2'] = jax.random.normal(ks[24], (L, L), dtype=jnp.float32) / np.sqrt(float(L))
    inp['A_W'] = jax.random.normal(ks[25], (TEMB, 2 * S + 2 * V + L), dtype=jnp.float32) * 0.02
    inp['A_b'] = jnp.zeros((2 * S + 2 * V + L,), dtype=jnp.float32)
    return inp


def reference(h, coords, edge_index, edge_type, edge_bond_type, edge_bond_conjugated, edge_bond_in_ring, edge_bond_stereo, edge_ref_dist, t_emb, E_type, E_bt, E_conj, E_ring, E_st, ref_W, ref_b, mlp_W1, mlp_b1, mlp_W2, mlp_b2, M_sv, M_vs, M_sl, P0, P1o, P1e, P2, A_W, A_b):
    n = h.shape[0]
    src = edge_index[0]
    dst = edge_index[1]
    diff = coords[dst] - coords[src]
    dist = jnp.linalg.norm(diff, axis=-1)
    e_type = E_type[edge_type]
    e_bond = jnp.concatenate([E_bt[edge_bond_type], E_conj[edge_bond_conjugated], E_ring[edge_bond_in_ring], E_st[edge_bond_stereo]], axis=-1)
    has_ref = (edge_ref_dist > 0).astype(jnp.float32)
    delta_d = dist - edge_ref_dist
    e_ref = jnp.stack([jnp.abs(delta_d), delta_d, has_ref], axis=-1) @ ref_W + ref_b
    h0_full = h[:, :S]
    edge_scalars = jnp.concatenate([rbf_encode(dist, NRBF), e_type, e_bond, e_ref, h0_full[src], h0_full[dst], t_emb[dst]], axis=-1)
    # EquivariantTPConv: per-edge TP weights from edge scalars, SH up to l=2, scatter-add to dst
    hid = jax.nn.silu(edge_scalars @ mlp_W1 + mlp_b1)
    w = hid @ mlp_W2 + mlp_b2
    w0 = w[:, :S]
    wa = w[:, S:S + V]
    wb = w[:, S + V:S + 2 * V]
    wc = w[:, S + 2 * V:S + 3 * V]
    wd = w[:, S + 3 * V:S + 4 * V]
    wg = w[:, S + 4 * V:S + 5 * V]
    we = w[:, S + 5 * V:S + 5 * V + L]
    wf = w[:, S + 5 * V + L:]
    h_src = h[src]
    h0s, h1os, h1es, h2s = split_irreps(h_src)
    y1, y2 = sph_harm(diff)
    dot1 = jnp.sum(h1os * y1[:, None, :], axis=-1)
    msg0 = w0 * h0s + (wc * dot1) @ M_vs
    msg1o = wb[:, :, None] * h1os + (wa * (h0s @ M_sv))[:, :, None] * y1[:, None, :]
    msg1e = wd[:, :, None] * h1es + wg[:, :, None] * jnp.cross(h1os, jnp.broadcast_to(y1[:, None, :], h1os.shape))
    msg2 = we[:, :, None] * h2s + (wf * (h0s @ M_sl))[:, :, None] * y2[:, None, :]
    msg = merge_irreps(msg0, msg1o, msg1e, msg2)
    agg = jax.ops.segment_sum(msg, dst, num_segments=n) / np.sqrt(16.0)
    # proj: irrep-wise channel-mixing linear
    a0, a1o, a1e, a2 = split_irreps(agg)
    u0 = a0 @ P0
    u1o = jnp.einsum('nvk,vw->nwk', a1o, P1o)
    u1e = jnp.einsum('nvk,vw->nwk', a1e, P1e)
    u2 = jnp.einsum('nlk,lm->nmk', a2, P2)
    # ScalarActivation: silu on scalar irreps only; dropout p=0 is identity
    u0 = jax.nn.silu(u0)
    update = merge_irreps(u0, u1o, u1e, u2)
    h = h + update
    # EquivariantAdaLN: LN on scalars with t-conditioned scale/shift; norm+gate on l>0
    p = t_emb @ A_W + A_b
    scale = p[:, :S]
    shift = p[:, S:2 * S]
    g1o = p[:, 2 * S:2 * S + V]
    g1e = p[:, 2 * S + V:2 * S + 2 * V]
    g2 = p[:, 2 * S + 2 * V:]
    h0, h1o, h1e, h2 = split_irreps(h)
    mu = jnp.mean(h0, axis=-1, keepdims=True)
    var = jnp.var(h0, axis=-1, keepdims=True)
    h0 = (h0 - mu) / jnp.sqrt(var + 1e-5) * (1.0 + scale) + shift
    def vec_norm(x):
        return jnp.sqrt(jnp.mean(jnp.sum(x * x, axis=-1), axis=-1, keepdims=True) + 1e-5)
    h1o = h1o / vec_norm(h1o)[:, :, None] * (1.0 + g1o)[:, :, None]
    h1e = h1e / vec_norm(h1e)[:, :, None] * (1.0 + g1e)[:, :, None]
    h2 = h2 / vec_norm(h2)[:, :, None] * (1.0 + g2)[:, :, None]
    return merge_irreps(h0, h1o, h1e, h2)

if __name__ == "__main__":
    import jax
    _d = setup_inputs()
    print(jax.jit(kernel)(*tuple(_d.values())))

</pallas_src>

<mosaic_0001>
#map = affine_map<(d0, d1) -> (0, 0)>
#map1 = affine_map<(d0, d1) -> (0, 0, 0)>
module attributes {stable_mosaic.version = 14 : i64} {
  func.func @k(%arg0: i32, %arg1: i32, %arg2: memref<10240x288xbf16, #tpu.memory_space<hbm>>, %arg3: memref<10240x160xbf16, #tpu.memory_space<hbm>>, %arg4: memref<32x40x128xi32, #tpu.memory_space<hbm>>, %arg5: memref<32x40x128xi32, #tpu.memory_space<hbm>>, %arg6: memref<163840x288xbf16, #tpu.memory_space<hbm>>, %arg7: memref<163840x160xbf16, #tpu.memory_space<hbm>>, %arg8: memref<40x128xi32, #tpu.memory_space<vmem>>, %arg9: memref<40x128xi32, #tpu.memory_space<vmem>>, %arg10: memref<128x288xbf16, #tpu.memory_space<vmem>>, %arg11: memref<128x288xbf16, #tpu.memory_space<vmem>>, %arg12: memref<128x288xbf16, #tpu.memory_space<vmem>>, %arg13: memref<128x160xbf16, #tpu.memory_space<vmem>>, %arg14: memref<128x160xbf16, #tpu.memory_space<vmem>>, %arg15: memref<128x160xbf16, #tpu.memory_space<vmem>>, %arg16: memref<!tpu.dma_semaphore, #tpu.memory_space<semaphore_mem>>, %arg17: memref<!tpu.dma_semaphore, #tpu.memory_space<semaphore_mem>>, %arg18: memref<!tpu.dma_semaphore, #tpu.memory_space<semaphore_mem>>, %arg19: memref<!tpu.dma_semaphore, #tpu.memory_space<semaphore_mem>>, %arg20: memref<!tpu.dma_semaphore, #tpu.memory_space<semaphore_mem>>, %arg21: memref<!tpu.dma_semaphore, #tpu.memory_space<semaphore_mem>>) attributes {dimension_semantics = [#tpu.dimension_semantics<core_parallel>, #tpu.dimension_semantics<subcore_parallel>], iteration_bounds = array<i64: 2, 16>, scalar_prefetch = 0 : i64, scratch_operands = 14 : i64, tpu.core_type = #tpu.core_type<sc_vector_subcore>, window_params = [{transform_indices = #map}, {transform_indices = #map}, {transform_indices = #map1}, {transform_indices = #map1}, {transform_indices = #map}, {transform_indices = #map}]} {
    %mul3A = arith.constant 2 : i32
    %mul3A_0 = arith.muli %arg1, %mul3A : i32
    %add3A = arith.addi %mul3A_0, %arg0 : i32
    %mul3A_1 = arith.constant 5120 : i32
    %mul3A_2 = arith.muli %add3A, %mul3A_1 : i32
    "tpu.region"() ({
      %run_scoped3A = tpu.sem_alloc : memref<!tpu.dma_semaphore, #tpu.memory_space<semaphore_mem>>
      %dma_start3A_49 = arith.constant 0 : i32
      %dma_start3A_50 = arith.constant 0 : i32
      %dma_start3A_51 = tpu.memref_slice %arg4[%add3A, %dma_start3A_49, %dma_start3A_50] : memref<32x40x128xi32, #tpu.memory_space<hbm>> -> memref<1x40x128xi32, #tpu.memory_space<hbm>>
      %dma_start3A_52 = tpu.memref_squeeze %dma_start3A_51 : memref<1x40x128xi32, #tpu.memory_space<hbm>> -> memref<40x128xi32, #tpu.memory_space<hbm>>
      %dma_start3A_53 = arith.constant 0 : i32
      %dma_start3A_54 = arith.constant 0 : i32
      %dma_start3A_55 = tpu.memref_slice %arg4[%add3A, %dma_start3A_53, %dma_start3A_54] : memref<32x40x128xi32, #tpu.memory_space<hbm>> -> memref<1x40x128xi32, #tpu.memory_space<hbm>>
      %dma_start3A_56 = tpu.memref_squeeze %dma_start3A_55 : memref<1x40x128xi32, #tpu.memory_space<hbm>> -> memref<40x128xi32, #tpu.memory_space<hbm>>
      tpu.enqueue_dma source(%dma_start3A_56 : memref<40x128xi32, #tpu.memory_space<hbm>>) target(%arg8 : memref<40x128xi32, #tpu.memory_space<vmem>>) target_semaphore(%run_scoped3A : memref<!tpu.dma_semaphore, #tpu.memory_space<semaphore_mem>>)
      %dma_wait3A = arith.constant 0 : i32
      %dma_wait3A_57 = arith.constant 0 : i32
      %dma_wait3A_58 = tpu.memref_slice %arg4[%add3A, %dma_wait3A, %dma_wait3A_57] : memref<32x40x128xi32, #tpu.memory_space<hbm>> -> memref<1x40x128xi32, #tpu.memory_space<hbm>>
      %dma_wait3A_59 = tpu.memref_squeeze %dma_wait3A_58 : memref<1x40x128xi32, #tpu.memory_space<hbm>> -> memref<40x128xi32, #tpu.memory_space<hbm>>
      %dma_wait3A_60 = arith.constant 0 : i32
      %dma_wait3A_61 = arith.constant 0 : i32
      %dma_wait3A_62 = tpu.memref_slice %arg4[%add3A, %dma_wait3A_60, %dma_wait3A_61] : memref<32x40x128xi32, #tpu.memory_space<hbm>> -> memref<1x40x128xi32, #tpu.memory_space<hbm>>
      %dma_wait3A_63 = tpu.memref_squeeze %dma_wait3A_62 : memref<1x40x128xi32, #tpu.memory_space<hbm>> -> memref<40x128xi32, #tpu.memory_space<hbm>>
      tpu.wait_dma2 semaphore(%run_scoped3A : memref<!tpu.dma_semaphore, #tpu.memory_space<semaphore_mem>>) src(%dma_wait3A_63 : memref<40x128xi32, #tpu.memory_space<hbm>>) dst(%arg8 : memref<40x128xi32, #tpu.memory_space<vmem>>)
      tpu.yield
    }) : () -> ()
    "tpu.region"() ({
      %run_scoped3A = tpu.sem_alloc : memref<!tpu.dma_semaphore, #tpu.memory_space<semaphore_mem>>
      %dma_start3A_49 = arith.constant 0 : i32
      %dma_start3A_50 = arith.constant 0 : i32
      %dma_start3A_51 = tpu.memref_slice %arg5[%add3A, %dma_start3A_49, %dma_start3A_50] : memref<32x40x128xi32, #tpu.memory_space<hbm>> -> memref<1x40x128xi32, #tpu.memory_space<hbm>>
      %dma_start3A_52 = tpu.memref_squeeze %dma_start3A_51 : memref<1x40x128xi32, #tpu.memory_space<hbm>> -> memref<40x128xi32, #tpu.memory_space<hbm>>
      %dma_start3A_53 = arith.constant 0 : i32
      %dma_start3A_54 = arith.constant 0 : i32
      %dma_start3A_55 = tpu.memref_slice %arg5[%add3A, %dma_start3A_53, %dma_start3A_54] : memref<32x40x128xi32, #tpu.memory_space<hbm>> -> memref<1x40x128xi32, #tpu.memory_space<hbm>>
      %dma_start3A_56 = tpu.memref_squeeze %dma_start3A_55 : memref<1x40x128xi32, #tpu.memory_space<hbm>> -> memref<40x128xi32, #tpu.memory_space<hbm>>
      tpu.enqueue_dma source(%dma_start3A_56 : memref<40x128xi32, #tpu.memory_space<hbm>>) target(%arg9 : memref<40x128xi32, #tpu.memory_space<vmem>>) target_semaphore(%run_scoped3A : memref<!tpu.dma_semaphore, #tpu.memory_space<semaphore_mem>>)
      %dma_wait3A = arith.constant 0 : i32
      %dma_wait3A_57 = arith.constant 0 : i32
      %dma_wait3A_58 = tpu.memref_slice %arg5[%add3A, %dma_wait3A, %dma_wait3A_57] : memref<32x40x128xi32, #tpu.memory_space<hbm>> -> memref<1x40x128xi32, #tpu.memory_space<hbm>>
      %dma_wait3A_59 = tpu.memref_squeeze %dma_wait3A_58 : memref<1x40x128xi32, #tpu.memory_space<hbm>> -> memref<40x128xi32, #tpu.memory_space<hbm>>
      %dma_wait3A_60 = arith.constant 0 : i32
      %dma_wait3A_61 = arith.constant 0 : i32
      %dma_wait3A_62 = tpu.memref_slice %arg5[%add3A, %dma_wait3A_60, %dma_wait3A_61] : memref<32x40x128xi32, #tpu.memory_space<hbm>> -> memref<1x40x128xi32, #tpu.memory_space<hbm>>
      %dma_wait3A_63 = tpu.memref_squeeze %dma_wait3A_62 : memref<1x40x128xi32, #tpu.memory_space<hbm>> -> memref<40x128xi32, #tpu.memory_space<hbm>>
      tpu.wait_dma2 semaphore(%run_scoped3A : memref<!tpu.dma_semaphore, #tpu.memory_space<semaphore_mem>>) src(%dma_wait3A_63 : memref<40x128xi32, #tpu.memory_space<hbm>>) dst(%arg9 : memref<40x128xi32, #tpu.memory_space<vmem>>)
      tpu.yield
    }) : () -> ()
    %dma_start3A = arith.constant 0 : i32
    %dma_start3A_3 = arith.constant 0 : i32
    %dma_start3A_4 = tpu.memref_slice %arg8[%dma_start3A, %dma_start3A_3] : memref<40x128xi32, #tpu.memory_space<vmem>> -> memref<1x128xi32, #tpu.memory_space<vmem>>
    %dma_start3A_5 = tpu.memref_squeeze %dma_start3A_4 : memref<1x128xi32, #tpu.memory_space<vmem>> -> memref<128xi32, #tpu.memory_space<vmem>>
    %dma_start3A_6 = arith.constant 0 : i32
    %dma_start3A_7 = arith.constant 0 : i32
    %dma_start3A_8 = tpu.memref_slice %arg2[%dma_start3A_6, %dma_start3A_7] : memref<10240x288xbf16, #tpu.memory_space<hbm>> -> memref<10240x288xbf16, #tpu.memory_space<hbm>>
    tpu.enqueue_indirect_dma source(%dma_start3A_8 : memref<10240x288xbf16, #tpu.memory_space<hbm>>) target(%arg10 : memref<128x288xbf16, #tpu.memory_space<vmem>>) offsets(%dma_start3A_5 : memref<128xi32, #tpu.memory_space<vmem>>) semaphore(%arg16 : memref<!tpu.dma_semaphore, #tpu.memory_space<semaphore_mem>>)
    %dma_start3A_9 = arith.constant 0 : i32
    %dma_start3A_10 = arith.constant 0 : i32
    %dma_start3A_11 = tpu.memref_slice %arg9[%dma_start3A_9, %dma_start3A_10] : memref<40x128xi32, #tpu.memory_space<vmem>> -> memref<1x128xi32, #tpu.memory_space<vmem>>
    %dma_start3A_12 = tpu.memref_squeeze %dma_start3A_11 : memref<1x128xi32, #tpu.memory_space<vmem>> -> memref<128xi32, #tpu.memory_space<vmem>>
    %dma_start3A_13 = arith.constant 0 : i32
    %dma_start3A_14 = arith.constant 0 : i32
    %dma_start3A_15 = tpu.memref_slice %arg3[%dma_start3A_13, %dma_start3A_14] : memref<10240x160xbf16, #tpu.memory_space<hbm>> -> memref<10240x160xbf16, #tpu.memory_space<hbm>>
    tpu.enqueue_indirect_dma source(%dma_start3A_15 : memref<10240x160xbf16, #tpu.memory_space<hbm>>) target(%arg13 : memref<128x160xbf16, #tpu.memory_space<vmem>>) offsets(%dma_start3A_12 : memref<128xi32, #tpu.memory_space<vmem>>) semaphore(%arg16 : memref<!tpu.dma_semaphore, #tpu.memory_space<semaphore_mem>>)
    %dma_start3A_16 = arith.constant 1 : i32
    %dma_start3A_17 = arith.constant 0 : i32
    %dma_start3A_18 = tpu.memref_slice %arg8[%dma_start3A_16, %dma_start3A_17] : memref<40x128xi32, #tpu.memory_space<vmem>> -> memref<1x128xi32, #tpu.memory_space<vmem>>
    %dma_start3A_19 = tpu.memref_squeeze %dma_start3A_18 : memref<1x128xi32, #tpu.memory_space<vmem>> -> memref<128xi32, #tpu.memory_space<vmem>>
    %dma_start3A_20 = arith.constant 0 : i32
    %dma_start3A_21 = arith.constant 0 : i32
    %dma_start3A_22 = tpu.memref_slice %arg2[%dma_start3A_20, %dma_start3A_21] : memref<10240x288xbf16, #tpu.memory_space<hbm>> -> memref<10240x288xbf16, #tpu.memory_space<hbm>>
    tpu.enqueue_indirect_dma source(%dma_start3A_22 : memref<10240x288xbf16, #tpu.memory_space<hbm>>) target(%arg11 : memref<128x288xbf16, #tpu.memory_space<vmem>>) offsets(%dma_start3A_19 : memref<128xi32, #tpu.memory_space<vmem>>) semaphore(%arg17 : memref<!tpu.dma_semaphore, #tpu.memory_space<semaphore_mem>>)
    %dma_start3A_23 = arith.constant 1 : i32
    %dma_start3A_24 = arith.constant 0 : i32
    %dma_start3A_25 = tpu.memref_slice %arg9[%dma_start3A_23, %dma_start3A_24] : memref<40x128xi32, #tpu.memory_space<vmem>> -> memref<1x128xi32, #tpu.memory_space<vmem>>
    %dma_start3A_26 = tpu.memref_squeeze %dma_start3A_25 : memref<1x128xi32, #tpu.memory_space<vmem>> -> memref<128xi32, #tpu.memory_space<vmem>>
    %dma_start3A_27 = arith.constant 0 : i32
    %dma_start3A_28 = arith.constant 0 : i32
    %dma_start3A_29 = tpu.memref_slice %arg3[%dma_start3A_27, %dma_start3A_28] : memref<10240x160xbf16, #tpu.memory_space<hbm>> -> memref<10240x160xbf16, #tpu.memory_space<hbm>>
    tpu.enqueue_indirect_dma source(%dma_start3A_29 : memref<10240x160xbf16, #tpu.memory_space<hbm>>) target(%arg14 : memref<128x160xbf16, #tpu.memory_space<vmem>>) offsets(%dma_start3A_26 : memref<128xi32, #tpu.memory_space<vmem>>) semaphore(%arg17 : memref<!tpu.dma_semaphore, #tpu.memory_space<semaphore_mem>>)
    %dma_start3A_30 = arith.constant 2 : i32
    %dma_start3A_31 = arith.constant 0 : i32
    %dma_start3A_32 = tpu.memref_slice %arg8[%dma_start3A_30, %dma_start3A_31] : memref<40x128xi32, #tpu.memory_space<vmem>> -> memref<1x128xi32, #tpu.memory_space<vmem>>
    %dma_start3A_33 = tpu.memref_squeeze %dma_start3A_32 : memref<1x128xi32, #tpu.memory_space<vmem>> -> memref<128xi32, #tpu.memory_space<vmem>>
    %dma_start3A_34 = arith.constant 0 : i32
    %dma_start3A_35 = arith.constant 0 : i32
    %dma_start3A_36 = tpu.memref_slice %arg2[%dma_start3A_34, %dma_start3A_35] : memref<10240x288xbf16, #tpu.memory_space<hbm>> -> memref<10240x288xbf16, #tpu.memory_space<hbm>>
    tpu.enqueue_indirect_dma source(%dma_start3A_36 : memref<10240x288xbf16, #tpu.memory_space<hbm>>) target(%arg12 : memref<128x288xbf16, #tpu.memory_space<vmem>>) offsets(%dma_start3A_33 : memref<128xi32, #tpu.memory_space<vmem>>) semaphore(%arg18 : memref<!tpu.dma_semaphore, #tpu.memory_space<semaphore_mem>>)
    %dma_start3A_37 = arith.constant 2 : i32
    %dma_start3A_38 = arith.constant 0 : i32
    %dma_start3A_39 = tpu.memref_slice %arg9[%dma_start3A_37, %dma_start3A_38] : memref<40x128xi32, #tpu.memory_space<vmem>> -> memref<1x128xi32, #tpu.memory_space<vmem>>
    %dma_start3A_40 = tpu.memref_squeeze %dma_start3A_39 : memref<1x128xi32, #tpu.memory_space<vmem>> -> memref<128xi32, #tpu.memory_space<vmem>>
    %dma_start3A_41 = arith.constant 0 : i32
    %dma_start3A_42 = arith.constant 0 : i32
    %dma_start3A_43 = tpu.memref_slice %arg3[%dma_start3A_41, %dma_start3A_42] : memref<10240x160xbf16, #tpu.memory_space<hbm>> -> memref<10240x160xbf16, #tpu.memory_space<hbm>>
    tpu.enqueue_indirect_dma source(%dma_start3A_43 : memref<10240x160xbf16, #tpu.memory_space<hbm>>) target(%arg15 : memref<128x160xbf16, #tpu.memory_space<vmem>>) offsets(%dma_start3A_40 : memref<128xi32, #tpu.memory_space<vmem>>) semaphore(%arg18 : memref<!tpu.dma_semaphore, #tpu.memory_space<semaphore_mem>>)
    %scan3A = arith.constant 0 : i32
    %scan3A_44 = arith.constant 0 : i32
    %scan3A_45 = arith.constant 14 : i32
    %scan3A_46 = arith.addi %scan3A_44, %scan3A_45 : i32
    %scan3A_47 = arith.constant 1 : i32
    scf.for %scan3A_49 = %scan3A_44 to %scan3A_46 step %scan3A_47  : i32 {
      %mul3A_50 = arith.constant 3 : i32
      %mul3A_51 = arith.muli %scan3A_49, %mul3A_50 : i32
      %add3A_52 = arith.constant 0 : i32
      %add3A_53 = arith.addi %mul3A_51, %add3A_52 : i32
      %lt3A = arith.constant 40 : i32
      %lt3A_54 = arith.cmpi slt, %add3A_53, %lt3A : i32
      %convert_element_type3A = arith.extui %lt3A_54 : i1 to i32
      %cond3A = arith.constant 0 : i32
      %cond3A_55 = arith.cmpi ne, %convert_element_type3A, %cond3A : i32
      scf.if %cond3A_55 {
        %dma_wait3A = arith.constant 0 : i32
        %dma_wait3A_74 = arith.constant 0 : i32
        %dma_wait3A_75 = tpu.memref_slice %arg8[%dma_wait3A, %dma_wait3A_74] : memref<40x128xi32, #tpu.memory_space<vmem>> -> memref<1x128xi32, #tpu.memory_space<vmem>>
        %dma_wait3A_76 = tpu.memref_squeeze %dma_wait3A_75 : memref<1x128xi32, #tpu.memory_space<vmem>> -> memref<128xi32, #tpu.memory_space<vmem>>
        %dma_wait3A_77 = arith.constant 0 : i32
        %dma_wait3A_78 = arith.constant 0 : i32
        %dma_wait3A_79 = tpu.memref_slice %arg2[%dma_wait3A_77, %dma_wait3A_78] : memref<10240x288xbf16, #tpu.memory_space<hbm>> -> memref<10240x288xbf16, #tpu.memory_space<hbm>>
        tpu.wait_indirect_dma semaphore(%arg16 : memref<!tpu.dma_semaphore, #tpu.memory_space<semaphore_mem>>) src(%dma_wait3A_79 : memref<10240x288xbf16, #tpu.memory_space<hbm>>) dst(%arg10 : memref<128x288xbf16, #tpu.memory_space<vmem>>)
        %dma_wait3A_80 = arith.constant 0 : i32
        %dma_wait3A_81 = arith.constant 0 : i32
        %dma_wait3A_82 = tpu.memref_slice %arg9[%dma_wait3A_80, %dma_wait3A_81] : memref<40x128xi32, #tpu.memory_space<vmem>> -> memref<1x128xi32, #tpu.memory_space<vmem>>
        %dma_wait3A_83 = tpu.memref_squeeze %dma_wait3A_82 : memref<1x128xi32, #tpu.memory_space<vmem>> -> memref<128xi32, #tpu.memory_space<vmem>>
        %dma_wait3A_84 = arith.constant 0 : i32
        %dma_wait3A_85 = arith.constant 0 : i32
        %dma_wait3A_86 = tpu.memref_slice %arg3[%dma_wait3A_84, %dma_wait3A_85] : memref<10240x160xbf16, #tpu.memory_space<hbm>> -> memref<10240x160xbf16, #tpu.memory_space<hbm>>
        tpu.wait_indirect_dma semaphore(%arg16 : memref<!tpu.dma_semaphore, #tpu.memory_space<semaphore_mem>>) src(%dma_wait3A_86 : memref<10240x160xbf16, #tpu.memory_space<hbm>>) dst(%arg13 : memref<128x160xbf16, #tpu.memory_space<vmem>>)
        %mul3A_87 = arith.constant 128 : i32
        %mul3A_88 = arith.muli %add3A_53, %mul3A_87 : i32
        %add3A_89 = arith.addi %mul3A_2, %mul3A_88 : i32
        %dma_start3A_90 = arith.constant 0 : i32
        %dma_start3A_91 = tpu.memref_slice %arg6[%add3A_89, %dma_start3A_90] : memref<163840x288xbf16, #tpu.memory_space<hbm>> -> memref<128x288xbf16, #tpu.memory_space<hbm>>
        %dma_start3A_92 = arith.constant 0 : i32
        %dma_start3A_93 = tpu.memref_slice %arg6[%add3A_89, %dma_start3A_92] : memref<163840x288xbf16, #tpu.memory_space<hbm>> -> memref<128x288xbf16, #tpu.memory_space<hbm>>
        tpu.enqueue_dma source(%arg10 : memref<128x288xbf16, #tpu.memory_space<vmem>>) target(%dma_start3A_93 : memref<128x288xbf16, #tpu.memory_space<hbm>>) target_semaphore(%arg19 : memref<!tpu.dma_semaphore, #tpu.memory_space<semaphore_mem>>)
        %dma_start3A_94 = arith.constant 0 : i32
        %dma_start3A_95 = tpu.memref_slice %arg7[%add3A_89, %dma_start3A_94] : memref<163840x160xbf16, #tpu.memory_space<hbm>> -> memref<128x160xbf16, #tpu.memory_space<hbm>>
        %dma_start3A_96 = arith.constant 0 : i32
        %dma_start3A_97 = tpu.memref_slice %arg7[%add3A_89, %dma_start3A_96] : memref<163840x160xbf16, #tpu.memory_space<hbm>> -> memref<128x160xbf16, #tpu.memory_space<hbm>>
        tpu.enqueue_dma source(%arg13 : memref<128x160xbf16, #tpu.memory_space<vmem>>) target(%dma_start3A_97 : memref<128x160xbf16, #tpu.memory_space<hbm>>) target_semaphore(%arg19 : memref<!tpu.dma_semaphore, #tpu.memory_space<semaphore_mem>>)
        %dma_wait3A_98 = arith.constant 0 : i32
        %dma_wait3A_99 = arith.constant 0 : i32
        %dma_wait3A_100 = tpu.memref_slice %arg6[%dma_wait3A_98, %dma_wait3A_99] : memref<163840x288xbf16, #tpu.memory_space<hbm>> -> memref<128x288xbf16, #tpu.memory_space<hbm>>
        %dma_wait3A_101 = arith.constant 0 : i32
        %dma_wait3A_102 = arith.constant 0 : i32
        %dma_wait3A_103 = tpu.memref_slice %arg6[%dma_wait3A_101, %dma_wait3A_102] : memref<163840x288xbf16, #tpu.memory_space<hbm>> -> memref<128x288xbf16, #tpu.memory_space<hbm>>
        tpu.wait_dma2 semaphore(%arg19 : memref<!tpu.dma_semaphore, #tpu.memory_space<semaphore_mem>>) src(%arg10 : memref<128x288xbf16, #tpu.memory_space<vmem>>) dst(%dma_wait3A_103 : memref<128x288xbf16, #tpu.memory_space<hbm>>)
        %dma_wait3A_104 = arith.constant 0 : i32
        %dma_wait3A_105 = arith.constant 0 : i32
        %dma_wait3A_106 = tpu.memref_slice %arg7[%dma_wait3A_104, %dma_wait3A_105] : memref<163840x160xbf16, #tpu.memory_space<hbm>> -> memref<128x160xbf16, #tpu.memory_space<hbm>>
        %dma_wait3A_107 = arith.constant 0 : i32
        %dma_wait3A_108 = arith.constant 0 : i32
        %dma_wait3A_109 = tpu.memref_slice %arg7[%dma_wait3A_107, %dma_wait3A_108] : memref<163840x160xbf16, #tpu.memory_space<hbm>> -> memref<128x160xbf16, #tpu.memory_space<hbm>>
        tpu.wait_dma2 semaphore(%arg19 : memref<!tpu.dma_semaphore, #tpu.memory_space<semaphore_mem>>) src(%arg13 : memref<128x160xbf16, #tpu.memory_space<vmem>>) dst(%dma_wait3A_109 : memref<128x160xbf16, #tpu.memory_space<hbm>>)
        %add3A_110 = arith.constant 3 : i32
        %add3A_111 = arith.addi %add3A_53, %add3A_110 : i32
        %lt3A_112 = arith.constant 40 : i32
        %lt3A_113 = arith.cmpi slt, %add3A_111, %lt3A_112 : i32
        %convert_element_type3A_114 = arith.extui %lt3A_113 : i1 to i32
        %cond3A_115 = arith.constant 0 : i32
        %cond3A_116 = arith.cmpi ne, %convert_element_type3A_114, %cond3A_115 : i32
        scf.if %cond3A_116 {
          %add3A_117 = arith.constant 3 : i32
          %add3A_118 = arith.addi %add3A_53, %add3A_117 : i32
          %dma_start3A_119 = arith.constant 0 : i32
          %dma_start3A_120 = tpu.memref_slice %arg8[%add3A_118, %dma_start3A_119] : memref<40x128xi32, #tpu.memory_space<vmem>> -> memref<1x128xi32, #tpu.memory_space<vmem>>
          %dma_start3A_121 = tpu.memref_squeeze %dma_start3A_120 : memref<1x128xi32, #tpu.memory_space<vmem>> -> memref<128xi32, #tpu.memory_space<vmem>>
          %dma_start3A_122 = arith.constant 0 : i32
          %dma_start3A_123 = arith.constant 0 : i32
          %dma_start3A_124 = tpu.memref_slice %arg2[%dma_start3A_122, %dma_start3A_123] : memref<10240x288xbf16, #tpu.memory_space<hbm>> -> memref<10240x288xbf16, #tpu.memory_space<hbm>>
          tpu.enqueue_indirect_dma source(%dma_start3A_124 : memref<10240x288xbf16, #tpu.memory_space<hbm>>) target(%arg10 : memref<128x288xbf16, #tpu.memory_space<vmem>>) offsets(%dma_start3A_121 : memref<128xi32, #tpu.memory_space<vmem>>) semaphore(%arg16 : memref<!tpu.dma_semaphore, #tpu.memory_space<semaphore_mem>>)
          %dma_start3A_125 = arith.constant 0 : i32
          %dma_start3A_126 = tpu.memref_slice %arg9[%add3A_118, %dma_start3A_125] : memref<40x128xi32, #tpu.memory_space<vmem>> -> memref<1x128xi32, #tpu.memory_space<vmem>>
          %dma_start3A_127 = tpu.memref_squeeze %dma_start3A_126 : memref<1x128xi32, #tpu.memory_space<vmem>> -> memref<128xi32, #tpu.memory_space<vmem>>
          %dma_start3A_128 = arith.constant 0 : i32
          %dma_start3A_129 = arith.constant 0 : i32
          %dma_start3A_130 = tpu.memref_slice %arg3[%dma_start3A_128, %dma_start3A_129] : memref<10240x160xbf16, #tpu.memory_space<hbm>> -> memref<10240x160xbf16, #tpu.memory_space<hbm>>
          tpu.enqueue_indirect_dma source(%dma_start3A_130 : memref<10240x160xbf16, #tpu.memory_space<hbm>>) target(%arg13 : memref<128x160xbf16, #tpu.memory_space<vmem>>) offsets(%dma_start3A_127 : memref<128xi32, #tpu.memory_space<vmem>>) semaphore(%arg16 : memref<!tpu.dma_semaphore, #tpu.memory_space<semaphore_mem>>)
        } else {
        }
      } else {
      }
      %mul3A_56 = arith.constant 3 : i32
      %mul3A_57 = arith.muli %scan3A_49, %mul3A_56 : i32
      %add3A_58 = arith.constant 1 : i32
      %add3A_59 = arith.addi %mul3A_57, %add3A_58 : i32
      %lt3A_60 = arith.constant 40 : i32
      %lt3A_61 = arith.cmpi slt, %add3A_59, %lt3A_60 : i32
      %convert_element_type3A_62 = arith.extui %lt3A_61 : i1 to i32
      %cond3A_63 = arith.constant 0 : i32
      %cond3A_64 = arith.cmpi ne, %convert_element_type3A_62, %cond3A_63 : i32
      scf.if %cond3A_64 {
        %dma_wait3A = arith.constant 0 : i32
        %dma_wait3A_74 = arith.constant 0 : i32
        %dma_wait3A_75 = tpu.memref_slice %arg8[%dma_wait3A, %dma_wait3A_74] : memref<40x128xi32, #tpu.memory_space<vmem>> -> memref<1x128xi32, #tpu.memory_space<vmem>>
        %dma_wait3A_76 = tpu.memref_squeeze %dma_wait3A_75 : memref<1x128xi32, #tpu.memory_space<vmem>> -> memref<128xi32, #tpu.memory_space<vmem>>
        %dma_wait3A_77 = arith.constant 0 : i32
        %dma_wait3A_78 = arith.constant 0 : i32
        %dma_wait3A_79 = tpu.memref_slice %arg2[%dma_wait3A_77, %dma_wait3A_78] : memref<10240x288xbf16, #tpu.memory_space<hbm>> -> memref<10240x288xbf16, #tpu.memory_space<hbm>>
        tpu.wait_indirect_dma semaphore(%arg17 : memref<!tpu.dma_semaphore, #tpu.memory_space<semaphore_mem>>) src(%dma_wait3A_79 : memref<10240x288xbf16, #tpu.memory_space<hbm>>) dst(%arg11 : memref<128x288xbf16, #tpu.memory_space<vmem>>)
        %dma_wait3A_80 = arith.constant 0 : i32
        %dma_wait3A_81 = arith.constant 0 : i32
        %dma_wait3A_82 = tpu.memref_slice %arg9[%dma_wait3A_80, %dma_wait3A_81] : memref<40x128xi32, #tpu.memory_space<vmem>> -> memref<1x128xi32, #tpu.memory_space<vmem>>
        %dma_wait3A_83 = tpu.memref_squeeze %dma_wait3A_82 : memref<1x128xi32, #tpu.memory_space<vmem>> -> memref<128xi32, #tpu.memory_space<vmem>>
        %dma_wait3A_84 = arith.constant 0 : i32
        %dma_wait3A_85 = arith.constant 0 : i32
        %dma_wait3A_86 = tpu.memref_slice %arg3[%dma_wait3A_84, %dma_wait3A_85] : memref<10240x160xbf16, #tpu.memory_space<hbm>> -> memref<10240x160xbf16, #tpu.memory_space<hbm>>
        tpu.wait_indirect_dma semaphore(%arg17 : memref<!tpu.dma_semaphore, #tpu.memory_space<semaphore_mem>>) src(%dma_wait3A_86 : memref<10240x160xbf16, #tpu.memory_space<hbm>>) dst(%arg14 : memref<128x160xbf16, #tpu.memory_space<vmem>>)
        %mul3A_87 = arith.constant 128 : i32
        %mul3A_88 = arith.muli %add3A_59, %mul3A_87 : i32
        %add3A_89 = arith.addi %mul3A_2, %mul3A_88 : i32
        %dma_start3A_90 = arith.constant 0 : i32
        %dma_start3A_91 = tpu.memref_slice %arg6[%add3A_89, %dma_start3A_90] : memref<163840x288xbf16, #tpu.memory_space<hbm>> -> memref<128x288xbf16, #tpu.memory_space<hbm>>
        %dma_start3A_92 = arith.constant 0 : i32
        %dma_start3A_93 = tpu.memref_slice %arg6[%add3A_89, %dma_start3A_92] : memref<163840x288xbf16, #tpu.memory_space<hbm>> -> memref<128x288xbf16, #tpu.memory_space<hbm>>
        tpu.enqueue_dma source(%arg11 : memref<128x288xbf16, #tpu.memory_space<vmem>>) target(%dma_start3A_93 : memref<128x288xbf16, #tpu.memory_space<hbm>>) target_semaphore(%arg20 : memref<!tpu.dma_semaphore, #tpu.memory_space<semaphore_mem>>)
        %dma_start3A_94 = arith.constant 0 : i32
        %dma_start3A_95 = tpu.memref_slice %arg7[%add3A_89, %dma_start3A_94] : memref<163840x160xbf16, #tpu.memory_space<hbm>> -> memref<128x160xbf16, #tpu.memory_space<hbm>>
        %dma_start3A_96 = arith.constant 0 : i32
        %dma_start3A_97 = tpu.memref_slice %arg7[%add3A_89, %dma_start3A_96] : memref<163840x160xbf16, #tpu.memory_space<hbm>> -> memref<128x160xbf16, #tpu.memory_space<hbm>>
        tpu.enqueue_dma source(%arg14 : memref<128x160xbf16, #tpu.memory_space<vmem>>) target(%dma_start3A_97 : memref<128x160xbf16, #tpu.memory_space<hbm>>) target_semaphore(%arg20 : memref<!tpu.dma_semaphore, #tpu.memory_space<semaphore_mem>>)
        %dma_wait3A_98 = arith.constant 0 : i32
        %dma_wait3A_99 = arith.constant 0 : i32
        %dma_wait3A_100 = tpu.memref_slice %arg6[%dma_wait3A_98, %dma_wait3A_99] : memref<163840x288xbf16, #tpu.memory_space<hbm>> -> memref<128x288xbf16, #tpu.memory_space<hbm>>
        %dma_wait3A_101 = arith.constant 0 : i32
        %dma_wait3A_102 = arith.constant 0 : i32
        %dma_wait3A_103 = tpu.memref_slice %arg6[%dma_wait3A_101, %dma_wait3A_102] : memref<163840x288xbf16, #tpu.memory_space<hbm>> -> memref<128x288xbf16, #tpu.memory_space<hbm>>
        tpu.wait_dma2 semaphore(%arg20 : memref<!tpu.dma_semaphore, #tpu.memory_space<semaphore_mem>>) src(%arg11 : memref<128x288xbf16, #tpu.memory_space<vmem>>) dst(%dma_wait3A_103 : memref<128x288xbf16, #tpu.memory_space<hbm>>)
        %dma_wait3A_104 = arith.constant 0 : i32
        %dma_wait3A_105 = arith.constant 0 : i32
        %dma_wait3A_106 = tpu.memref_slice %arg7[%dma_wait3A_104, %dma_wait3A_105] : memref<163840x160xbf16, #tpu.memory_space<hbm>> -> memref<128x160xbf16, #tpu.memory_space<hbm>>
        %dma_wait3A_107 = arith.constant 0 : i32
        %dma_wait3A_108 = arith.constant 0 : i32
        %dma_wait3A_109 = tpu.memref_slice %arg7[%dma_wait3A_107, %dma_wait3A_108] : memref<163840x160xbf16, #tpu.memory_space<hbm>> -> memref<128x160xbf16, #tpu.memory_space<hbm>>
        tpu.wait_dma2 semaphore(%arg20 : memref<!tpu.dma_semaphore, #tpu.memory_space<semaphore_mem>>) src(%arg14 : memref<128x160xbf16, #tpu.memory_space<vmem>>) dst(%dma_wait3A_109 : memref<128x160xbf16, #tpu.memory_space<hbm>>)
        %add3A_110 = arith.constant 3 : i32
        %add3A_111 = arith.addi %add3A_59, %add3A_110 : i32
        %lt3A_112 = arith.constant 40 : i32
        %lt3A_113 = arith.cmpi slt, %add3A_111, %lt3A_112 : i32
        %convert_element_type3A_114 = arith.extui %lt3A_113 : i1 to i32
        %cond3A_115 = arith.constant 0 : i32
        %cond3A_116 = arith.cmpi ne, %convert_element_type3A_114, %cond3A_115 : i32
        scf.if %cond3A_116 {
          %add3A_117 = arith.constant 3 : i32
          %add3A_118 = arith.addi %add3A_59, %add3A_117 : i32
          %dma_start3A_119 = arith.constant 0 : i32
          %dma_start3A_120 = tpu.memref_slice %arg8[%add3A_118, %dma_start3A_119] : memref<40x128xi32, #tpu.memory_space<vmem>> -> memref<1x128xi32, #tpu.memory_space<vmem>>
          %dma_start3A_121 = tpu.memref_squeeze %dma_start3A_120 : memref<1x128xi32, #tpu.memory_space<vmem>> -> memref<128xi32, #tpu.memory_space<vmem>>
          %dma_start3A_122 = arith.constant 0 : i32
          %dma_start3A_123 = arith.constant 0 : i32
          %dma_start3A_124 = tpu.memref_slice %arg2[%dma_start3A_122, %dma_start3A_123] : memref<10240x288xbf16, #tpu.memory_space<hbm>> -> memref<10240x288xbf16, #tpu.memory_space<hbm>>
          tpu.enqueue_indirect_dma source(%dma_start3A_124 : memref<10240x288xbf16, #tpu.memory_space<hbm>>) target(%arg11 : memref<128x288xbf16, #tpu.memory_space<vmem>>) offsets(%dma_start3A_121 : memref<128xi32, #tpu.memory_space<vmem>>) semaphore(%arg17 : memref<!tpu.dma_semaphore, #tpu.memory_space<semaphore_mem>>)
          %dma_start3A_125 = arith.constant 0 : i32
          %dma_start3A_126 = tpu.memref_slice %arg9[%add3A_118, %dma_start3A_125] : memref<40x128xi32, #tpu.memory_space<vmem>> -> memref<1x128xi32, #tpu.memory_space<vmem>>
          %dma_start3A_127 = tpu.memref_squeeze %dma_start3A_126 : memref<1x128xi32, #tpu.memory_space<vmem>> -> memref<128xi32, #tpu.memory_space<vmem>>
          %dma_start3A_128 = arith.constant 0 : i32
          %dma_start3A_129 = arith.constant 0 : i32
          %dma_start3A_130 = tpu.memref_slice %arg3[%dma_start3A_128, %dma_start3A_129] : memref<10240x160xbf16, #tpu.memory_space<hbm>> -> memref<10240x160xbf16, #tpu.memory_space<hbm>>
          tpu.enqueue_indirect_dma source(%dma_start3A_130 : memref<10240x160xbf16, #tpu.memory_space<hbm>>) target(%arg14 : memref<128x160xbf16, #tpu.memory_space<vmem>>) offsets(%dma_start3A_127 : memref<128xi32, #tpu.memory_space<vmem>>) semaphore(%arg17 : memref<!tpu.dma_semaphore, #tpu.memory_space<semaphore_mem>>)
        } else {
        }
      } else {
      }
      %mul3A_65 = arith.constant 3 : i32
      %mul3A_66 = arith.muli %scan3A_49, %mul3A_65 : i32
      %add3A_67 = arith.constant 2 : i32
      %add3A_68 = arith.addi %mul3A_66, %add3A_67 : i32
      %lt3A_69 = arith.constant 40 : i32
      %lt3A_70 = arith.cmpi slt, %add3A_68, %lt3A_69 : i32
      %convert_element_type3A_71 = arith.extui %lt3A_70 : i1 to i32
      %cond3A_72 = arith.constant 0 : i32
      %cond3A_73 = arith.cmpi ne, %convert_element_type3A_71, %cond3A_72 : i32
      scf.if %cond3A_73 {
        %dma_wait3A = arith.constant 0 : i32
        %dma_wait3A_74 = arith.constant 0 : i32
        %dma_wait3A_75 = tpu.memref_slice %arg8[%dma_wait3A, %dma_wait3A_74] : memref<40x128xi32, #tpu.memory_space<vmem>> -> memref<1x128xi32, #tpu.memory_space<vmem>>
        %dma_wait3A_76 = tpu.memref_squeeze %dma_wait3A_75 : memref<1x128xi32, #tpu.memory_space<vmem>> -> memref<128xi32, #tpu.memory_space<vmem>>
        %dma_wait3A_77 = arith.constant 0 : i32
        %dma_wait3A_78 = arith.constant 0 : i32
        %dma_wait3A_79 = tpu.memref_slice %arg2[%dma_wait3A_77, %dma_wait3A_78] : memref<10240x288xbf16, #tpu.memory_space<hbm>> -> memref<10240x288xbf16, #tpu.memory_space<hbm>>
        tpu.wait_indirect_dma semaphore(%arg18 : memref<!tpu.dma_semaphore, #tpu.memory_space<semaphore_mem>>) src(%dma_wait3A_79 : memref<10240x288xbf16, #tpu.memory_space<hbm>>) dst(%arg12 : memref<128x288xbf16, #tpu.memory_space<vmem>>)
        %dma_wait3A_80 = arith.constant 0 : i32
        %dma_wait3A_81 = arith.constant 0 : i32
        %dma_wait3A_82 = tpu.memref_slice %arg9[%dma_wait3A_80, %dma_wait3A_81] : memref<40x128xi32, #tpu.memory_space<vmem>> -> memref<1x128xi32, #tpu.memory_space<vmem>>
        %dma_wait3A_83 = tpu.memref_squeeze %dma_wait3A_82 : memref<1x128xi32, #tpu.memory_space<vmem>> -> memref<128xi32, #tpu.memory_space<vmem>>
        %dma_wait3A_84 = arith.constant 0 : i32
        %dma_wait3A_85 = arith.constant 0 : i32
        %dma_wait3A_86 = tpu.memref_slice %arg3[%dma_wait3A_84, %dma_wait3A_85] : memref<10240x160xbf16, #tpu.memory_space<hbm>> -> memref<10240x160xbf16, #tpu.memory_space<hbm>>
        tpu.wait_indirect_dma semaphore(%arg18 : memref<!tpu.dma_semaphore, #tpu.memory_space<semaphore_mem>>) src(%dma_wait3A_86 : memref<10240x160xbf16, #tpu.memory_space<hbm>>) dst(%arg15 : memref<128x160xbf16, #tpu.memory_space<vmem>>)
        %mul3A_87 = arith.constant 128 : i32
        %mul3A_88 = arith.muli %add3A_68, %mul3A_87 : i32
        %add3A_89 = arith.addi %mul3A_2, %mul3A_88 : i32
        %dma_start3A_90 = arith.constant 0 : i32
        %dma_start3A_91 = tpu.memref_slice %arg6[%add3A_89, %dma_start3A_90] : memref<163840x288xbf16, #tpu.memory_space<hbm>> -> memref<128x288xbf16, #tpu.memory_space<hbm>>
        %dma_start3A_92 = arith.constant 0 : i32
        %dma_start3A_93 = tpu.memref_slice %arg6[%add3A_89, %dma_start3A_92] : memref<163840x288xbf16, #tpu.memory_space<hbm>> -> memref<128x288xbf16, #tpu.memory_space<hbm>>
        tpu.enqueue_dma source(%arg12 : memref<128x288xbf16, #tpu.memory_space<vmem>>) target(%dma_start3A_93 : memref<128x288xbf16, #tpu.memory_space<hbm>>) target_semaphore(%arg21 : memref<!tpu.dma_semaphore, #tpu.memory_space<semaphore_mem>>)
        %dma_start3A_94 = arith.constant 0 : i32
        %dma_start3A_95 = tpu.memref_slice %arg7[%add3A_89, %dma_start3A_94] : memref<163840x160xbf16, #tpu.memory_space<hbm>> -> memref<128x160xbf16, #tpu.memory_space<hbm>>
        %dma_start3A_96 = arith.constant 0 : i32
        %dma_start3A_97 = tpu.memref_slice %arg7[%add3A_89, %dma_start3A_96] : memref<163840x160xbf16, #tpu.memory_space<hbm>> -> memref<128x160xbf16, #tpu.memory_space<hbm>>
        tpu.enqueue_dma source(%arg15 : memref<128x160xbf16, #tpu.memory_space<vmem>>) target(%dma_start3A_97 : memref<128x160xbf16, #tpu.memory_space<hbm>>) target_semaphore(%arg21 : memref<!tpu.dma_semaphore, #tpu.memory_space<semaphore_mem>>)
        %dma_wait3A_98 = arith.constant 0 : i32
        %dma_wait3A_99 = arith.constant 0 : i32
        %dma_wait3A_100 = tpu.memref_slice %arg6[%dma_wait3A_98, %dma_wait3A_99] : memref<163840x288xbf16, #tpu.memory_space<hbm>> -> memref<128x288xbf16, #tpu.memory_space<hbm>>
        %dma_wait3A_101 = arith.constant 0 : i32
        %dma_wait3A_102 = arith.constant 0 : i32
        %dma_wait3A_103 = tpu.memref_slice %arg6[%dma_wait3A_101, %dma_wait3A_102] : memref<163840x288xbf16, #tpu.memory_space<hbm>> -> memref<128x288xbf16, #tpu.memory_space<hbm>>
        tpu.wait_dma2 semaphore(%arg21 : memref<!tpu.dma_semaphore, #tpu.memory_space<semaphore_mem>>) src(%arg12 : memref<128x288xbf16, #tpu.memory_space<vmem>>) dst(%dma_wait3A_103 : memref<128x288xbf16, #tpu.memory_space<hbm>>)
        %dma_wait3A_104 = arith.constant 0 : i32
        %dma_wait3A_105 = arith.constant 0 : i32
        %dma_wait3A_106 = tpu.memref_slice %arg7[%dma_wait3A_104, %dma_wait3A_105] : memref<163840x160xbf16, #tpu.memory_space<hbm>> -> memref<128x160xbf16, #tpu.memory_space<hbm>>
        %dma_wait3A_107 = arith.constant 0 : i32
        %dma_wait3A_108 = arith.constant 0 : i32
        %dma_wait3A_109 = tpu.memref_slice %arg7[%dma_wait3A_107, %dma_wait3A_108] : memref<163840x160xbf16, #tpu.memory_space<hbm>> -> memref<128x160xbf16, #tpu.memory_space<hbm>>
        tpu.wait_dma2 semaphore(%arg21 : memref<!tpu.dma_semaphore, #tpu.memory_space<semaphore_mem>>) src(%arg15 : memref<128x160xbf16, #tpu.memory_space<vmem>>) dst(%dma_wait3A_109 : memref<128x160xbf16, #tpu.memory_space<hbm>>)
        %add3A_110 = arith.constant 3 : i32
        %add3A_111 = arith.addi %add3A_68, %add3A_110 : i32
        %lt3A_112 = arith.constant 40 : i32
        %lt3A_113 = arith.cmpi slt, %add3A_111, %lt3A_112 : i32
        %convert_element_type3A_114 = arith.extui %lt3A_113 : i1 to i32
        %cond3A_115 = arith.constant 0 : i32
        %cond3A_116 = arith.cmpi ne, %convert_element_type3A_114, %cond3A_115 : i32
        scf.if %cond3A_116 {
          %add3A_117 = arith.constant 3 : i32
          %add3A_118 = arith.addi %add3A_68, %add3A_117 : i32
          %dma_start3A_119 = arith.constant 0 : i32
          %dma_start3A_120 = tpu.memref_slice %arg8[%add3A_118, %dma_start3A_119] : memref<40x128xi32, #tpu.memory_space<vmem>> -> memref<1x128xi32, #tpu.memory_space<vmem>>
          %dma_start3A_121 = tpu.memref_squeeze %dma_start3A_120 : memref<1x128xi32, #tpu.memory_space<vmem>> -> memref<128xi32, #tpu.memory_space<vmem>>
          %dma_start3A_122 = arith.constant 0 : i32
          %dma_start3A_123 = arith.constant 0 : i32
          %dma_start3A_124 = tpu.memref_slice %arg2[%dma_start3A_122, %dma_start3A_123] : memref<10240x288xbf16, #tpu.memory_space<hbm>> -> memref<10240x288xbf16, #tpu.memory_space<hbm>>
          tpu.enqueue_indirect_dma source(%dma_start3A_124 : memref<10240x288xbf16, #tpu.memory_space<hbm>>) target(%arg12 : memref<128x288xbf16, #tpu.memory_space<vmem>>) offsets(%dma_start3A_121 : memref<128xi32, #tpu.memory_space<vmem>>) semaphore(%arg18 : memref<!tpu.dma_semaphore, #tpu.memory_space<semaphore_mem>>)
          %dma_start3A_125 = arith.constant 0 : i32
          %dma_start3A_126 = tpu.memref_slice %arg9[%add3A_118, %dma_start3A_125] : memref<40x128xi32, #tpu.memory_space<vmem>> -> memref<1x128xi32, #tpu.memory_space<vmem>>
          %dma_start3A_127 = tpu.memref_squeeze %dma_start3A_126 : memref<1x128xi32, #tpu.memory_space<vmem>> -> memref<128xi32, #tpu.memory_space<vmem>>
          %dma_start3A_128 = arith.constant 0 : i32
          %dma_start3A_129 = arith.constant 0 : i32
          %dma_start3A_130 = tpu.memref_slice %arg3[%dma_start3A_128, %dma_start3A_129] : memref<10240x160xbf16, #tpu.memory_space<hbm>> -> memref<10240x160xbf16, #tpu.memory_space<hbm>>
          tpu.enqueue_indirect_dma source(%dma_start3A_130 : memref<10240x160xbf16, #tpu.memory_space<hbm>>) target(%arg15 : memref<128x160xbf16, #tpu.memory_space<vmem>>) offsets(%dma_start3A_127 : memref<128xi32, #tpu.memory_space<vmem>>) semaphore(%arg18 : memref<!tpu.dma_semaphore, #tpu.memory_space<semaphore_mem>>)
        } else {
        }
      } else {
      }
    }
    %scan3A_48 = arith.constant 14 : i32
    return
  }
}

#map = affine_map<(d0, d1) -> (0, 0)>
#map1 = affine_map<(d0, d1) -> (0, 0, 0)>
module attributes {stable_mosaic.version = 14 : i64} {
  func.func @k(%arg0: i32, %arg1: i32, %arg2: memref<163840x144xf32, #tpu.memory_space<hbm>>, %arg3: memref<163840x144xf32, #tpu.memory_space<hbm>>, %arg4: memref<16x80x128xi32, #tpu.memory_space<hbm>>, %arg5: memref<641x144xf32, #tpu.memory_space<hbm>>, %arg6: memref<10240x144xf32, #tpu.memory_space<hbm>>, %arg7: memref<10240x144xf32, #tpu.memory_space<hbm>>, %arg8: memref<8x128xi32, #tpu.memory_space<vmem>>, %arg9: memref<128x144xf32, #tpu.memory_space<vmem>>, %arg10: memref<128x144xf32, #tpu.memory_space<vmem>>, %arg11: memref<10256x144xf32, #tpu.memory_space<vmem_shared>>, %arg12: memref<!tpu.dma_semaphore, #tpu.memory_space<semaphore_mem>>, %arg13: memref<!tpu.dma_semaphore, #tpu.memory_space<semaphore_mem>>) attributes {dimension_semantics = [#tpu.dimension_semantics<core_parallel>, #tpu.dimension_semantics<subcore_parallel>], iteration_bounds = array<i64: 2, 16>, scalar_prefetch = 0 : i64, scratch_operands = 6 : i64, tpu.core_type = #tpu.core_type<sc_vector_subcore>, window_params = [{transform_indices = #map}, {transform_indices = #map}, {transform_indices = #map1}, {transform_indices = #map}, {transform_indices = #map}, {transform_indices = #map}]} {
    %mul3A = arith.constant 641 : i32
    %mul3A_0 = arith.muli %arg1, %mul3A : i32
    "tpu.region"() ({
      %run_scoped3A = tpu.sem_alloc : memref<!tpu.dma_semaphore, #tpu.memory_space<semaphore_mem>>
      %dma_start3A = arith.constant 0 : i32
      %dma_start3A_35 = tpu.memref_slice %arg11[%mul3A_0, %dma_start3A] : memref<10256x144xf32, #tpu.memory_space<vmem_shared>> -> memref<641x144xf32, #tpu.memory_space<vmem_shared>>
      tpu.enqueue_dma source(%arg5 : memref<641x144xf32, #tpu.memory_space<hbm>>) target(%dma_start3A_35 : memref<641x144xf32, #tpu.memory_space<vmem_shared>>) target_semaphore(%run_scoped3A : memref<!tpu.dma_semaphore, #tpu.memory_space<semaphore_mem>>)
      %dma_wait3A = arith.constant 0 : i32
      %dma_wait3A_36 = tpu.memref_slice %arg11[%mul3A_0, %dma_wait3A] : memref<10256x144xf32, #tpu.memory_space<vmem_shared>> -> memref<641x144xf32, #tpu.memory_space<vmem_shared>>
      tpu.wait_dma2 semaphore(%run_scoped3A : memref<!tpu.dma_semaphore, #tpu.memory_space<semaphore_mem>>) src(%arg5 : memref<641x144xf32, #tpu.memory_space<hbm>>) dst(%dma_wait3A_36 : memref<641x144xf32, #tpu.memory_space<vmem_shared>>)
      tpu.yield
    }) : () -> ()
    %barrier3A = arith.constant 0 : index
    tpu.barrier barrier_id(%barrier3A)
    %mul3A_1 = arith.constant 10240 : i32
    %mul3A_2 = arith.muli %arg1, %mul3A_1 : i32
    "tpu.region"() ({
      %run_scoped3A = tpu.sem_alloc : memref<!tpu.dma_semaphore, #tpu.memory_space<semaphore_mem>>
      %dma_start3A = arith.constant 0 : i32
      %dma_start3A_35 = arith.constant 0 : i32
      %dma_start3A_36 = tpu.memref_slice %arg4[%arg1, %dma_start3A, %dma_start3A_35] : memref<16x80x128xi32, #tpu.memory_space<hbm>> -> memref<1x8x128xi32, #tpu.memory_space<hbm>>
      %dma_start3A_37 = tpu.memref_squeeze %dma_start3A_36 : memref<1x8x128xi32, #tpu.memory_space<hbm>> -> memref<8x128xi32, #tpu.memory_space<hbm>>
      %dma_start3A_38 = arith.constant 0 : i32
      %dma_start3A_39 = arith.constant 0 : i32
      %dma_start3A_40 = tpu.memref_slice %arg4[%arg1, %dma_start3A_38, %dma_start3A_39] : memref<16x80x128xi32, #tpu.memory_space<hbm>> -> memref<1x8x128xi32, #tpu.memory_space<hbm>>
      %dma_start3A_41 = tpu.memref_squeeze %dma_start3A_40 : memref<1x8x128xi32, #tpu.memory_space<hbm>> -> memref<8x128xi32, #tpu.memory_space<hbm>>
      tpu.enqueue_dma source(%dma_start3A_41 : memref<8x128xi32, #tpu.memory_space<hbm>>) target(%arg8 : memref<8x128xi32, #tpu.memory_space<vmem>>) target_semaphore(%run_scoped3A : memref<!tpu.dma_semaphore, #tpu.memory_space<semaphore_mem>>)
      %dma_wait3A = arith.constant 0 : i32
      %dma_wait3A_42 = arith.constant 0 : i32
      %dma_wait3A_43 = tpu.memref_slice %arg4[%arg1, %dma_wait3A, %dma_wait3A_42] : memref<16x80x128xi32, #tpu.memory_space<hbm>> -> memref<1x8x128xi32, #tpu.memory_space<hbm>>
      %dma_wait3A_44 = tpu.memref_squeeze %dma_wait3A_43 : memref<1x8x128xi32, #tpu.memory_space<hbm>> -> memref<8x128xi32, #tpu.memory_space<hbm>>
      %dma_wait3A_45 = arith.constant 0 : i32
      %dma_wait3A_46 = arith.constant 0 : i32
      %dma_wait3A_47 = tpu.memref_slice %arg4[%arg1, %dma_wait3A_45, %dma_wait3A_46] : memref<16x80x128xi32, #tpu.memory_space<hbm>> -> memref<1x8x128xi32, #tpu.memory_space<hbm>>
      %dma_wait3A_48 = tpu.memref_squeeze %dma_wait3A_47 : memref<1x8x128xi32, #tpu.memory_space<hbm>> -> memref<8x128xi32, #tpu.memory_space<hbm>>
      tpu.wait_dma2 semaphore(%run_scoped3A : memref<!tpu.dma_semaphore, #tpu.memory_space<semaphore_mem>>) src(%dma_wait3A_48 : memref<8x128xi32, #tpu.memory_space<hbm>>) dst(%arg8 : memref<8x128xi32, #tpu.memory_space<vmem>>)
      tpu.yield
    }) : () -> ()
    %add3A = arith.constant 0 : i32
    %add3A_3 = arith.addi %mul3A_2, %add3A : i32
    %eq3A = arith.constant 0 : i32
    %eq3A_4 = arith.cmpi eq, %arg0, %eq3A : i32
    %convert_element_type3A = arith.extui %eq3A_4 : i1 to i32
    %cond3A = arith.constant 0 : i32
    %cond3A_5 = arith.cmpi ne, %convert_element_type3A, %cond3A : i32
    scf.if %cond3A_5 {
      %dma_start3A = arith.constant 0 : i32
      %dma_start3A_35 = tpu.memref_slice %arg2[%add3A_3, %dma_start3A] : memref<163840x144xf32, #tpu.memory_space<hbm>> -> memref<128x144xf32, #tpu.memory_space<hbm>>
      %dma_start3A_36 = arith.constant 0 : i32
      %dma_start3A_37 = tpu.memref_slice %arg2[%add3A_3, %dma_start3A_36] : memref<163840x144xf32, #tpu.memory_space<hbm>> -> memref<128x144xf32, #tpu.memory_space<hbm>>
      tpu.enqueue_dma source(%dma_start3A_37 : memref<128x144xf32, #tpu.memory_space<hbm>>) target(%arg9 : memref<128x144xf32, #tpu.memory_space<vmem>>) target_semaphore(%arg12 : memref<!tpu.dma_semaphore, #tpu.memory_space<semaphore_mem>>)
    } else {
    }
    %eq3A_6 = arith.constant 1 : i32
    %eq3A_7 = arith.cmpi eq, %arg0, %eq3A_6 : i32
    %convert_element_type3A_8 = arith.extui %eq3A_7 : i1 to i32
    %cond3A_9 = arith.constant 0 : i32
    %cond3A_10 = arith.cmpi ne, %convert_element_type3A_8, %cond3A_9 : i32
    scf.if %cond3A_10 {
      %dma_start3A = arith.constant 0 : i32
      %dma_start3A_35 = tpu.memref_slice %arg3[%add3A_3, %dma_start3A] : memref<163840x144xf32, #tpu.memory_space<hbm>> -> memref<128x144xf32, #tpu.memory_space<hbm>>
      %dma_start3A_36 = arith.constant 0 : i32
      %dma_start3A_37 = tpu.memref_slice %arg3[%add3A_3, %dma_start3A_36] : memref<163840x144xf32, #tpu.memory_space<hbm>> -> memref<128x144xf32, #tpu.memory_space<hbm>>
      tpu.enqueue_dma source(%dma_start3A_37 : memref<128x144xf32, #tpu.memory_space<hbm>>) target(%arg9 : memref<128x144xf32, #tpu.memory_space<vmem>>) target_semaphore(%arg12 : memref<!tpu.dma_semaphore, #tpu.memory_space<semaphore_mem>>)
    } else {
    }
    %add3A_11 = arith.constant 128 : i32
    %add3A_12 = arith.addi %mul3A_2, %add3A_11 : i32
    %eq3A_13 = arith.constant 0 : i32
    %eq3A_14 = arith.cmpi eq, %arg0, %eq3A_13 : i32
    %convert_element_type3A_15 = arith.extui %eq3A_14 : i1 to i32
    %cond3A_16 = arith.constant 0 : i32
    %cond3A_17 = arith.cmpi ne, %convert_element_type3A_15, %cond3A_16 : i32
    scf.if %cond3A_17 {
      %dma_start3A = arith.constant 0 : i32
      %dma_start3A_35 = tpu.memref_slice %arg2[%add3A_12, %dma_start3A] : memref<163840x144xf32, #tpu.memory_space<hbm>> -> memref<128x144xf32, #tpu.memory_space<hbm>>
      %dma_start3A_36 = arith.constant 0 : i32
      %dma_start3A_37 = tpu.memref_slice %arg2[%add3A_12, %dma_start3A_36] : memref<163840x144xf32, #tpu.memory_space<hbm>> -> memref<128x144xf32, #tpu.memory_space<hbm>>
      tpu.enqueue_dma source(%dma_start3A_37 : memref<128x144xf32, #tpu.memory_space<hbm>>) target(%arg10 : memref<128x144xf32, #tpu.memory_space<vmem>>) target_semaphore(%arg13 : memref<!tpu.dma_semaphore, #tpu.memory_space<semaphore_mem>>)
    } else {
    }
    %eq3A_18 = arith.constant 1 : i32
    %eq3A_19 = arith.cmpi eq, %arg0, %eq3A_18 : i32
    %convert_element_type3A_20 = arith.extui %eq3A_19 : i1 to i32
    %cond3A_21 = arith.constant 0 : i32
    %cond3A_22 = arith.cmpi ne, %convert_element_type3A_20, %cond3A_21 : i32
    scf.if %cond3A_22 {
      %dma_start3A = arith.constant 0 : i32
      %dma_start3A_35 = tpu.memref_slice %arg3[%add3A_12, %dma_start3A] : memref<163840x144xf32, #tpu.memory_space<hbm>> -> memref<128x144xf32, #tpu.memory_space<hbm>>
      %dma_start3A_36 = arith.constant 0 : i32
      %dma_start3A_37 = tpu.memref_slice %arg3[%add3A_12, %dma_start3A_36] : memref<163840x144xf32, #tpu.memory_space<hbm>> -> memref<128x144xf32, #tpu.memory_space<hbm>>
      tpu.enqueue_dma source(%dma_start3A_37 : memref<128x144xf32, #tpu.memory_space<hbm>>) target(%arg10 : memref<128x144xf32, #tpu.memory_space<vmem>>) target_semaphore(%arg13 : memref<!tpu.dma_semaphore, #tpu.memory_space<semaphore_mem>>)
    } else {
    }
    %scan3A = arith.constant 0 : i32
    %scan3A_23 = arith.constant 0 : i32
    %scan3A_24 = arith.constant 40 : i32
    %scan3A_25 = arith.addi %scan3A_23, %scan3A_24 : i32
    %scan3A_26 = arith.constant 1 : i32
    scf.for %scan3A_35 = %scan3A_23 to %scan3A_25 step %scan3A_26  : i32 {
      %mul3A_36 = arith.constant 2 : i32
      %mul3A_37 = arith.muli %scan3A_35, %mul3A_36 : i32
      %add3A_38 = arith.constant 0 : i32
      %add3A_39 = arith.addi %mul3A_37, %add3A_38 : i32
      %jit3A = arith.constant 4 : i32
      %eq3A_40 = arith.constant 0 : i32
      %eq3A_41 = arith.cmpi eq, %jit3A, %eq3A_40 : i32
      %jit3A_42 = arith.constant 1 : i32
      %select_n3A = arith.select %eq3A_41, %jit3A_42, %jit3A : i32
      %rem3A = arith.remsi %scan3A_35, %select_n3A : i32
      %ne3A = arith.constant 0 : i32
      %ne3A_43 = arith.cmpi ne, %rem3A, %ne3A : i32
      %lt3A = arith.constant 0 : i32
      %lt3A_44 = arith.cmpi slt, %rem3A, %lt3A : i32
      %lt3A_45 = arith.constant 0 : i32
      %lt3A_46 = arith.cmpi slt, %select_n3A, %lt3A_45 : i32
      %ne3A_47 = arith.xori %lt3A_44, %lt3A_46 : i1
      %and3A = arith.andi %ne3A_47, %ne3A_43 : i1
      %add3A_48 = arith.addi %rem3A, %select_n3A : i32
      %select_n3A_49 = arith.select %and3A, %add3A_48, %rem3A : i32
      %mul3A_50 = arith.constant 2 : i32
      %mul3A_51 = arith.muli %select_n3A_49, %mul3A_50 : i32
      %add3A_52 = arith.constant 0 : i32
      %add3A_53 = arith.addi %mul3A_51, %add3A_52 : i32
      %dma_wait3A = arith.constant 0 : i32
      %dma_wait3A_54 = arith.constant 0 : i32
      %dma_wait3A_55 = tpu.memref_slice %arg2[%dma_wait3A, %dma_wait3A_54] : memref<163840x144xf32, #tpu.memory_space<hbm>> -> memref<128x144xf32, #tpu.memory_space<hbm>>
      %dma_wait3A_56 = arith.constant 0 : i32
      %dma_wait3A_57 = arith.constant 0 : i32
      %dma_wait3A_58 = tpu.memref_slice %arg2[%dma_wait3A_56, %dma_wait3A_57] : memref<163840x144xf32, #tpu.memory_space<hbm>> -> memref<128x144xf32, #tpu.memory_space<hbm>>
      tpu.wait_dma2 semaphore(%arg12 : memref<!tpu.dma_semaphore, #tpu.memory_space<semaphore_mem>>) src(%dma_wait3A_58 : memref<128x144xf32, #tpu.memory_space<hbm>>) dst(%arg9 : memref<128x144xf32, #tpu.memory_space<vmem>>)
      "tpu.region"() ({
        %run_scoped3A = tpu.sem_alloc : memref<!tpu.dma_semaphore, #tpu.memory_space<semaphore_mem>>
        %dma_start3A = arith.constant 0 : i32
        %dma_start3A_131 = tpu.memref_slice %arg8[%add3A_53, %dma_start3A] : memref<8x128xi32, #tpu.memory_space<vmem>> -> memref<1x128xi32, #tpu.memory_space<vmem>>
        %dma_start3A_132 = tpu.memref_squeeze %dma_start3A_131 : memref<1x128xi32, #tpu.memory_space<vmem>> -> memref<128xi32, #tpu.memory_space<vmem>>
        %dma_start3A_133 = arith.constant 0 : i32
        %dma_start3A_134 = arith.constant 0 : i32
        %dma_start3A_135 = tpu.memref_slice %arg11[%dma_start3A_133, %dma_start3A_134] : memref<10256x144xf32, #tpu.memory_space<vmem_shared>> -> memref<10256x144xf32, #tpu.memory_space<vmem_shared>>
        tpu.enqueue_indirect_dma source(%arg9 : memref<128x144xf32, #tpu.memory_space<vmem>>) target(%dma_start3A_135 : memref<10256x144xf32, #tpu.memory_space<vmem_shared>>) offsets(%dma_start3A_132 : memref<128xi32, #tpu.memory_space<vmem>>) semaphore(%run_scoped3A : memref<!tpu.dma_semaphore, #tpu.memory_space<semaphore_mem>>) {add = true}
        %dma_wait3A_136 = arith.constant 0 : i32
        %dma_wait3A_137 = tpu.memref_slice %arg8[%add3A_53, %dma_wait3A_136] : memref<8x128xi32, #tpu.memory_space<vmem>> -> memref<1x128xi32, #tpu.memory_space<vmem>>
        %dma_wait3A_138 = tpu.memref_squeeze %dma_wait3A_137 : memref<1x128xi32, #tpu.memory_space<vmem>> -> memref<128xi32, #tpu.memory_space<vmem>>
        %dma_wait3A_139 = arith.constant 0 : i32
        %dma_wait3A_140 = arith.constant 0 : i32
        %dma_wait3A_141 = tpu.memref_slice %arg11[%dma_wait3A_139, %dma_wait3A_140] : memref<10256x144xf32, #tpu.memory_space<vmem_shared>> -> memref<10256x144xf32, #tpu.memory_space<vmem_shared>>
        tpu.wait_indirect_dma semaphore(%run_scoped3A : memref<!tpu.dma_semaphore, #tpu.memory_space<semaphore_mem>>) src(%arg9 : memref<128x144xf32, #tpu.memory_space<vmem>>) dst(%dma_wait3A_141 : memref<10256x144xf32, #tpu.memory_space<vmem_shared>>)
        tpu.yield
      }) : () -> ()
      %add3A_59 = arith.constant 2 : i32
      %add3A_60 = arith.addi %add3A_39, %add3A_59 : i32
      %lt3A_61 = arith.constant 80 : i32
      %lt3A_62 = arith.cmpi slt, %add3A_60, %lt3A_61 : i32
      %convert_element_type3A_63 = arith.extui %lt3A_62 : i1 to i32
      %cond3A_64 = arith.constant 0 : i32
      %cond3A_65 = arith.cmpi ne, %convert_element_type3A_63, %cond3A_64 : i32
      scf.if %cond3A_65 {
        %add3A_131 = arith.constant 2 : i32
        %add3A_132 = arith.addi %add3A_39, %add3A_131 : i32
        %mul3A_133 = arith.constant 128 : i32
        %mul3A_134 = arith.muli %add3A_132, %mul3A_133 : i32
        %add3A_135 = arith.addi %mul3A_2, %mul3A_134 : i32
        %eq3A_136 = arith.constant 0 : i32
        %eq3A_137 = arith.cmpi eq, %arg0, %eq3A_136 : i32
        %convert_element_type3A_138 = arith.extui %eq3A_137 : i1 to i32
        %cond3A_139 = arith.constant 0 : i32
        %cond3A_140 = arith.cmpi ne, %convert_element_type3A_138, %cond3A_139 : i32
        scf.if %cond3A_140 {
          %dma_start3A = arith.constant 0 : i32
          %dma_start3A_146 = tpu.memref_slice %arg2[%add3A_135, %dma_start3A] : memref<163840x144xf32, #tpu.memory_space<hbm>> -> memref<128x144xf32, #tpu.memory_space<hbm>>
          %dma_start3A_147 = arith.constant 0 : i32
          %dma_start3A_148 = tpu.memref_slice %arg2[%add3A_135, %dma_start3A_147] : memref<163840x144xf32, #tpu.memory_space<hbm>> -> memref<128x144xf32, #tpu.memory_space<hbm>>
          tpu.enqueue_dma source(%dma_start3A_148 : memref<128x144xf32, #tpu.memory_space<hbm>>) target(%arg9 : memref<128x144xf32, #tpu.memory_space<vmem>>) target_semaphore(%arg12 : memref<!tpu.dma_semaphore, #tpu.memory_space<semaphore_mem>>)
        } else {
        }
        %eq3A_141 = arith.constant 1 : i32
        %eq3A_142 = arith.cmpi eq, %arg0, %eq3A_141 : i32
        %convert_element_type3A_143 = arith.extui %eq3A_142 : i1 to i32
        %cond3A_144 = arith.constant 0 : i32
        %cond3A_145 = arith.cmpi ne, %convert_element_type3A_143, %cond3A_144 : i32
        scf.if %cond3A_145 {
          %dma_start3A = arith.constant 0 : i32
          %dma_start3A_146 = tpu.memref_slice %arg3[%add3A_135, %dma_start3A] : memref<163840x144xf32, #tpu.memory_space<hbm>> -> memref<128x144xf32, #tpu.memory_space<hbm>>
          %dma_start3A_147 = arith.constant 0 : i32
          %dma_start3A_148 = tpu.memref_slice %arg3[%add3A_135, %dma_start3A_147] : memref<163840x144xf32, #tpu.memory_space<hbm>> -> memref<128x144xf32, #tpu.memory_space<hbm>>
          tpu.enqueue_dma source(%dma_start3A_148 : memref<128x144xf32, #tpu.memory_space<hbm>>) target(%arg9 : memref<128x144xf32, #tpu.memory_space<vmem>>) target_semaphore(%arg12 : memref<!tpu.dma_semaphore, #tpu.memory_space<semaphore_mem>>)
        } else {
        }
      } else {
      }
      %mul3A_66 = arith.constant 2 : i32
      %mul3A_67 = arith.muli %scan3A_35, %mul3A_66 : i32
      %add3A_68 = arith.constant 1 : i32
      %add3A_69 = arith.addi %mul3A_67, %add3A_68 : i32
      %jit3A_70 = arith.constant 4 : i32
      %eq3A_71 = arith.constant 0 : i32
      %eq3A_72 = arith.cmpi eq, %jit3A_70, %eq3A_71 : i32
      %jit3A_73 = arith.constant 1 : i32
      %select_n3A_74 = arith.select %eq3A_72, %jit3A_73, %jit3A_70 : i32
      %rem3A_75 = arith.remsi %scan3A_35, %select_n3A_74 : i32
      %ne3A_76 = arith.constant 0 : i32
      %ne3A_77 = arith.cmpi ne, %rem3A_75, %ne3A_76 : i32
      %lt3A_78 = arith.constant 0 : i32
      %lt3A_79 = arith.cmpi slt, %rem3A_75, %lt3A_78 : i32
      %lt3A_80 = arith.constant 0 : i32
      %lt3A_81 = arith.cmpi slt, %select_n3A_74, %lt3A_80 : i32
      %ne3A_82 = arith.xori %lt3A_79, %lt3A_81 : i1
      %and3A_83 = arith.andi %ne3A_82, %ne3A_77 : i1
      %add3A_84 = arith.addi %rem3A_75, %select_n3A_74 : i32
      %select_n3A_85 = arith.select %and3A_83, %add3A_84, %rem3A_75 : i32
      %mul3A_86 = arith.constant 2 : i32
      %mul3A_87 = arith.muli %select_n3A_85, %mul3A_86 : i32
      %add3A_88 = arith.constant 1 : i32
      %add3A_89 = arith.addi %mul3A_87, %add3A_88 : i32
      %dma_wait3A_90 = arith.constant 0 : i32
      %dma_wait3A_91 = arith.constant 0 : i32
      %dma_wait3A_92 = tpu.memref_slice %arg2[%dma_wait3A_90, %dma_wait3A_91] : memref<163840x144xf32, #tpu.memory_space<hbm>> -> memref<128x144xf32, #tpu.memory_space<hbm>>
      %dma_wait3A_93 = arith.constant 0 : i32
      %dma_wait3A_94 = arith.constant 0 : i32
      %dma_wait3A_95 = tpu.memref_slice %arg2[%dma_wait3A_93, %dma_wait3A_94] : memref<163840x144xf32, #tpu.memory_space<hbm>> -> memref<128x144xf32, #tpu.memory_space<hbm>>
      tpu.wait_dma2 semaphore(%arg13 : memref<!tpu.dma_semaphore, #tpu.memory_space<semaphore_mem>>) src(%dma_wait3A_95 : memref<128x144xf32, #tpu.memory_space<hbm>>) dst(%arg10 : memref<128x144xf32, #tpu.memory_space<vmem>>)
      "tpu.region"() ({
        %run_scoped3A = tpu.sem_alloc : memref<!tpu.dma_semaphore, #tpu.memory_space<semaphore_mem>>
        %dma_start3A = arith.constant 0 : i32
        %dma_start3A_131 = tpu.memref_slice %arg8[%add3A_89, %dma_start3A] : memref<8x128xi32, #tpu.memory_space<vmem>> -> memref<1x128xi32, #tpu.memory_space<vmem>>
        %dma_start3A_132 = tpu.memref_squeeze %dma_start3A_131 : memref<1x128xi32, #tpu.memory_space<vmem>> -> memref<128xi32, #tpu.memory_space<vmem>>
        %dma_start3A_133 = arith.constant 0 : i32
        %dma_start3A_134 = arith.constant 0 : i32
        %dma_start3A_135 = tpu.memref_slice %arg11[%dma_start3A_133, %dma_start3A_134] : memref<10256x144xf32, #tpu.memory_space<vmem_shared>> -> memref<10256x144xf32, #tpu.memory_space<vmem_shared>>
        tpu.enqueue_indirect_dma source(%arg10 : memref<128x144xf32, #tpu.memory_space<vmem>>) target(%dma_start3A_135 : memref<10256x144xf32, #tpu.memory_space<vmem_shared>>) offsets(%dma_start3A_132 : memref<128xi32, #tpu.memory_space<vmem>>) semaphore(%run_scoped3A : memref<!tpu.dma_semaphore, #tpu.memory_space<semaphore_mem>>) {add = true}
        %dma_wait3A_136 = arith.constant 0 : i32
        %dma_wait3A_137 = tpu.memref_slice %arg8[%add3A_89, %dma_wait3A_136] : memref<8x128xi32, #tpu.memory_space<vmem>> -> memref<1x128xi32, #tpu.memory_space<vmem>>
        %dma_wait3A_138 = tpu.memref_squeeze %dma_wait3A_137 : memref<1x128xi32, #tpu.memory_space<vmem>> -> memref<128xi32, #tpu.memory_space<vmem>>
        %dma_wait3A_139 = arith.constant 0 : i32
        %dma_wait3A_140 = arith.constant 0 : i32
        %dma_wait3A_141 = tpu.memref_slice %arg11[%dma_wait3A_139, %dma_wait3A_140] : memref<10256x144xf32, #tpu.memory_space<vmem_shared>> -> memref<10256x144xf32, #tpu.memory_space<vmem_shared>>
        tpu.wait_indirect_dma semaphore(%run_scoped3A : memref<!tpu.dma_semaphore, #tpu.memory_space<semaphore_mem>>) src(%arg10 : memref<128x144xf32, #tpu.memory_space<vmem>>) dst(%dma_wait3A_141 : memref<10256x144xf32, #tpu.memory_space<vmem_shared>>)
        tpu.yield
      }) : () -> ()
      %add3A_96 = arith.constant 2 : i32
      %add3A_97 = arith.addi %add3A_69, %add3A_96 : i32
      %lt3A_98 = arith.constant 80 : i32
      %lt3A_99 = arith.cmpi slt, %add3A_97, %lt3A_98 : i32
      %convert_element_type3A_100 = arith.extui %lt3A_99 : i1 to i32
      %cond3A_101 = arith.constant 0 : i32
      %cond3A_102 = arith.cmpi ne, %convert_element_type3A_100, %cond3A_101 : i32
      scf.if %cond3A_102 {
        %add3A_131 = arith.constant 2 : i32
        %add3A_132 = arith.addi %add3A_69, %add3A_131 : i32
        %mul3A_133 = arith.constant 128 : i32
        %mul3A_134 = arith.muli %add3A_132, %mul3A_133 : i32
        %add3A_135 = arith.addi %mul3A_2, %mul3A_134 : i32
        %eq3A_136 = arith.constant 0 : i32
        %eq3A_137 = arith.cmpi eq, %arg0, %eq3A_136 : i32
        %convert_element_type3A_138 = arith.extui %eq3A_137 : i1 to i32
        %cond3A_139 = arith.constant 0 : i32
        %cond3A_140 = arith.cmpi ne, %convert_element_type3A_138, %cond3A_139 : i32
        scf.if %cond3A_140 {
          %dma_start3A = arith.constant 0 : i32
          %dma_start3A_146 = tpu.memref_slice %arg2[%add3A_135, %dma_start3A] : memref<163840x144xf32, #tpu.memory_space<hbm>> -> memref<128x144xf32, #tpu.memory_space<hbm>>
          %dma_start3A_147 = arith.constant 0 : i32
          %dma_start3A_148 = tpu.memref_slice %arg2[%add3A_135, %dma_start3A_147] : memref<163840x144xf32, #tpu.memory_space<hbm>> -> memref<128x144xf32, #tpu.memory_space<hbm>>
          tpu.enqueue_dma source(%dma_start3A_148 : memref<128x144xf32, #tpu.memory_space<hbm>>) target(%arg10 : memref<128x144xf32, #tpu.memory_space<vmem>>) target_semaphore(%arg13 : memref<!tpu.dma_semaphore, #tpu.memory_space<semaphore_mem>>)
        } else {
        }
        %eq3A_141 = arith.constant 1 : i32
        %eq3A_142 = arith.cmpi eq, %arg0, %eq3A_141 : i32
        %convert_element_type3A_143 = arith.extui %eq3A_142 : i1 to i32
        %cond3A_144 = arith.constant 0 : i32
        %cond3A_145 = arith.cmpi ne, %convert_element_type3A_143, %cond3A_144 : i32
        scf.if %cond3A_145 {
          %dma_start3A = arith.constant 0 : i32
          %dma_start3A_146 = tpu.memref_slice %arg3[%add3A_135, %dma_start3A] : memref<163840x144xf32, #tpu.memory_space<hbm>> -> memref<128x144xf32, #tpu.memory_space<hbm>>
          %dma_start3A_147 = arith.constant 0 : i32
          %dma_start3A_148 = tpu.memref_slice %arg3[%add3A_135, %dma_start3A_147] : memref<163840x144xf32, #tpu.memory_space<hbm>> -> memref<128x144xf32, #tpu.memory_space<hbm>>
          tpu.enqueue_dma source(%dma_start3A_148 : memref<128x144xf32, #tpu.memory_space<hbm>>) target(%arg10 : memref<128x144xf32, #tpu.memory_space<vmem>>) target_semaphore(%arg13 : memref<!tpu.dma_semaphore, #tpu.memory_space<semaphore_mem>>)
        } else {
        }
      } else {
      }
      %add3A_103 = arith.constant 1 : i32
      %add3A_104 = arith.addi %scan3A_35, %add3A_103 : i32
      %mul3A_105 = arith.constant 2 : i32
      %mul3A_106 = arith.muli %add3A_104, %mul3A_105 : i32
      %jit3A_107 = arith.constant 8 : i32
      %eq3A_108 = arith.constant 0 : i32
      %eq3A_109 = arith.cmpi eq, %jit3A_107, %eq3A_108 : i32
      %jit3A_110 = arith.constant 1 : i32
      %select_n3A_111 = arith.select %eq3A_109, %jit3A_110, %jit3A_107 : i32
      %rem3A_112 = arith.remsi %mul3A_106, %select_n3A_111 : i32
      %ne3A_113 = arith.constant 0 : i32
      %ne3A_114 = arith.cmpi ne, %rem3A_112, %ne3A_113 : i32
      %lt3A_115 = arith.constant 0 : i32
      %lt3A_116 = arith.cmpi slt, %rem3A_112, %lt3A_115 : i32
      %lt3A_117 = arith.constant 0 : i32
      %lt3A_118 = arith.cmpi slt, %select_n3A_111, %lt3A_117 : i32
      %ne3A_119 = arith.xori %lt3A_116, %lt3A_118 : i1
      %and3A_120 = arith.andi %ne3A_119, %ne3A_114 : i1
      %add3A_121 = arith.addi %rem3A_112, %select_n3A_111 : i32
      %select_n3A_122 = arith.select %and3A_120, %add3A_121, %rem3A_112 : i32
      %eq3A_123 = arith.constant 0 : i32
      %eq3A_124 = arith.cmpi eq, %select_n3A_122, %eq3A_123 : i32
      %lt3A_125 = arith.constant 80 : i32
      %lt3A_126 = arith.cmpi slt, %mul3A_106, %lt3A_125 : i32
      %and3A_127 = arith.andi %eq3A_124, %lt3A_126 : i1
      %convert_element_type3A_128 = arith.extui %and3A_127 : i1 to i32
      %cond3A_129 = arith.constant 0 : i32
      %cond3A_130 = arith.cmpi ne, %convert_element_type3A_128, %cond3A_129 : i32
      scf.if %cond3A_130 {
        "tpu.region"() ({
          %run_scoped3A = tpu.sem_alloc : memref<!tpu.dma_semaphore, #tpu.memory_space<semaphore_mem>>
          %dma_start3A = arith.constant 0 : i32
          %dma_start3A_131 = tpu.memref_slice %arg4[%arg1, %mul3A_106, %dma_start3A] : memref<16x80x128xi32, #tpu.memory_space<hbm>> -> memref<1x8x128xi32, #tpu.memory_space<hbm>>
          %dma_start3A_132 = tpu.memref_squeeze %dma_start3A_131 : memref<1x8x128xi32, #tpu.memory_space<hbm>> -> memref<8x128xi32, #tpu.memory_space<hbm>>
          %dma_start3A_133 = arith.constant 0 : i32
          %dma_start3A_134 = tpu.memref_slice %arg4[%arg1, %mul3A_106, %dma_start3A_133] : memref<16x80x128xi32, #tpu.memory_space<hbm>> -> memref<1x8x128xi32, #tpu.memory_space<hbm>>
          %dma_start3A_135 = tpu.memref_squeeze %dma_start3A_134 : memref<1x8x128xi32, #tpu.memory_space<hbm>> -> memref<8x128xi32, #tpu.memory_space<hbm>>
          tpu.enqueue_dma source(%dma_start3A_135 : memref<8x128xi32, #tpu.memory_space<hbm>>) target(%arg8 : memref<8x128xi32, #tpu.memory_space<vmem>>) target_semaphore(%run_scoped3A : memref<!tpu.dma_semaphore, #tpu.memory_space<semaphore_mem>>)
          %dma_wait3A_136 = arith.constant 0 : i32
          %dma_wait3A_137 = tpu.memref_slice %arg4[%arg1, %mul3A_106, %dma_wait3A_136] : memref<16x80x128xi32, #tpu.memory_space<hbm>> -> memref<1x8x128xi32, #tpu.memory_space<hbm>>
          %dma_wait3A_138 = tpu.memref_squeeze %dma_wait3A_137 : memref<1x8x128xi32, #tpu.memory_space<hbm>> -> memref<8x128xi32, #tpu.memory_space<hbm>>
          %dma_wait3A_139 = arith.constant 0 : i32
          %dma_wait3A_140 = tpu.memref_slice %arg4[%arg1, %mul3A_106, %dma_wait3A_139] : memref<16x80x128xi32, #tpu.memory_space<hbm>> -> memref<1x8x128xi32, #tpu.memory_space<hbm>>
          %dma_wait3A_141 = tpu.memref_squeeze %dma_wait3A_140 : memref<1x8x128xi32, #tpu.memory_space<hbm>> -> memref<8x128xi32, #tpu.memory_space<hbm>>
          tpu.wait_dma2 semaphore(%run_scoped3A : memref<!tpu.dma_semaphore, #tpu.memory_space<semaphore_mem>>) src(%dma_wait3A_141 : memref<8x128xi32, #tpu.memory_space<hbm>>) dst(%arg8 : memref<8x128xi32, #tpu.memory_space<vmem>>)
          tpu.yield
        }) : () -> ()
      } else {
      }
    }
    %scan3A_27 = arith.constant 40 : i32
    %barrier3A_28 = arith.constant 0 : index
    tpu.barrier barrier_id(%barrier3A_28)
    %scan3A_29 = arith.constant 0 : i32
    %scan3A_30 = arith.constant 0 : i32
    %scan3A_31 = arith.constant 5 : i32
    %scan3A_32 = arith.addi %scan3A_30, %scan3A_31 : i32
    %scan3A_33 = arith.constant 1 : i32
    scf.for %scan3A_35 = %scan3A_30 to %scan3A_32 step %scan3A_33  : i32 {
      %mul3A_36 = arith.constant 16 : i32
      %mul3A_37 = arith.muli %scan3A_35, %mul3A_36 : i32
      %add3A_38 = arith.addi %arg1, %mul3A_37 : i32
      %eq3A_39 = arith.constant 0 : i32
      %eq3A_40 = arith.cmpi eq, %arg0, %eq3A_39 : i32
      %convert_element_type3A_41 = arith.extui %eq3A_40 : i1 to i32
      %cond3A_42 = arith.constant 0 : i32
      %cond3A_43 = arith.cmpi ne, %convert_element_type3A_41, %cond3A_42 : i32
      scf.if %cond3A_43 {
        %mul3A_49 = arith.constant 128 : i32
        %mul3A_50 = arith.muli %add3A_38, %mul3A_49 : i32
        %mul3A_51 = arith.constant 128 : i32
        %mul3A_52 = arith.muli %add3A_38, %mul3A_51 : i32
        "tpu.region"() ({
          %run_scoped3A = tpu.sem_alloc : memref<!tpu.dma_semaphore, #tpu.memory_space<semaphore_mem>>
          %dma_start3A = arith.constant 0 : i32
          %dma_start3A_53 = tpu.memref_slice %arg6[%mul3A_52, %dma_start3A] : memref<10240x144xf32, #tpu.memory_space<hbm>> -> memref<128x144xf32, #tpu.memory_space<hbm>>
          %dma_start3A_54 = arith.constant 0 : i32
          %dma_start3A_55 = tpu.memref_slice %arg11[%mul3A_50, %dma_start3A_54] : memref<10256x144xf32, #tpu.memory_space<vmem_shared>> -> memref<128x144xf32, #tpu.memory_space<vmem_shared>>
          tpu.enqueue_dma source(%dma_start3A_55 : memref<128x144xf32, #tpu.memory_space<vmem_shared>>) target(%dma_start3A_53 : memref<128x144xf32, #tpu.memory_space<hbm>>) target_semaphore(%run_scoped3A : memref<!tpu.dma_semaphore, #tpu.memory_space<semaphore_mem>>)
          %dma_wait3A = arith.constant 0 : i32
          %dma_wait3A_56 = tpu.memref_slice %arg6[%mul3A_52, %dma_wait3A] : memref<10240x144xf32, #tpu.memory_space<hbm>> -> memref<128x144xf32, #tpu.memory_space<hbm>>
          %dma_wait3A_57 = arith.constant 0 : i32
          %dma_wait3A_58 = tpu.memref_slice %arg11[%mul3A_50, %dma_wait3A_57] : memref<10256x144xf32, #tpu.memory_space<vmem_shared>> -> memref<128x144xf32, #tpu.memory_space<vmem_shared>>
          tpu.wait_dma2 semaphore(%run_scoped3A : memref<!tpu.dma_semaphore, #tpu.memory_space<semaphore_mem>>) src(%dma_wait3A_58 : memref<128x144xf32, #tpu.memory_space<vmem_shared>>) dst(%dma_wait3A_56 : memref<128x144xf32, #tpu.memory_space<hbm>>)
          tpu.yield
        }) : () -> ()
      } else {
      }
      %eq3A_44 = arith.constant 1 : i32
      %eq3A_45 = arith.cmpi eq, %arg0, %eq3A_44 : i32
      %convert_element_type3A_46 = arith.extui %eq3A_45 : i1 to i32
      %cond3A_47 = arith.constant 0 : i32
      %cond3A_48 = arith.cmpi ne, %convert_element_type3A_46, %cond3A_47 : i32
      scf.if %cond3A_48 {
        %mul3A_49 = arith.constant 128 : i32
        %mul3A_50 = arith.muli %add3A_38, %mul3A_49 : i32
        %mul3A_51 = arith.constant 128 : i32
        %mul3A_52 = arith.muli %add3A_38, %mul3A_51 : i32
        "tpu.region"() ({
          %run_scoped3A = tpu.sem_alloc : memref<!tpu.dma_semaphore, #tpu.memory_space<semaphore_mem>>
          %dma_start3A = arith.constant 0 : i32
          %dma_start3A_53 = tpu.memref_slice %arg7[%mul3A_52, %dma_start3A] : memref<10240x144xf32, #tpu.memory_space<hbm>> -> memref<128x144xf32, #tpu.memory_space<hbm>>
          %dma_start3A_54 = arith.constant 0 : i32
          %dma_start3A_55 = tpu.memref_slice %arg11[%mul3A_50, %dma_start3A_54] : memref<10256x144xf32, #tpu.memory_space<vmem_shared>> -> memref<128x144xf32, #tpu.memory_space<vmem_shared>>
          tpu.enqueue_dma source(%dma_start3A_55 : memref<128x144xf32, #tpu.memory_space<vmem_shared>>) target(%dma_start3A_53 : memref<128x144xf32, #tpu.memory_space<hbm>>) target_semaphore(%run_scoped3A : memref<!tpu.dma_semaphore, #tpu.memory_space<semaphore_mem>>)
          %dma_wait3A = arith.constant 0 : i32
          %dma_wait3A_56 = tpu.memref_slice %arg7[%mul3A_52, %dma_wait3A] : memref<10240x144xf32, #tpu.memory_space<hbm>> -> memref<128x144xf32, #tpu.memory_space<hbm>>
          %dma_wait3A_57 = arith.constant 0 : i32
          %dma_wait3A_58 = tpu.memref_slice %arg11[%mul3A_50, %dma_wait3A_57] : memref<10256x144xf32, #tpu.memory_space<vmem_shared>> -> memref<128x144xf32, #tpu.memory_space<vmem_shared>>
          tpu.wait_dma2 semaphore(%run_scoped3A : memref<!tpu.dma_semaphore, #tpu.memory_space<semaphore_mem>>) src(%dma_wait3A_58 : memref<128x144xf32, #tpu.memory_space<vmem_shared>>) dst(%dma_wait3A_56 : memref<128x144xf32, #tpu.memory_space<hbm>>)
          tpu.yield
        }) : () -> ()
      } else {
      }
    }
    %scan3A_34 = arith.constant 5 : i32
    return
  }
}

module attributes {stable_mosaic.version = 14 : i64} {
  func.func @_k0_body(%arg0: i32, %arg1: memref<256x128xf32, #tpu.memory_space<vmem>>, %arg2: memref<256x128xf32, #tpu.memory_space<vmem>>, %arg3: memref<256x8xf32, #tpu.memory_space<vmem>>, %arg4: memref<128x128xf32, #tpu.memory_space<vmem>>, %arg5: memref<128x128xf32, #tpu.memory_space<vmem>>, %arg6: memref<1x128xf32, #tpu.memory_space<vmem>>, %arg7: memref<256x160xbf16, #tpu.memory_space<vmem>>) attributes {dimension_semantics = [#tpu.dimension_semantics<arbitrary>], iteration_bounds = array<i64: 40>, scalar_prefetch = 0 : i64, scratch_operands = 0 : i64, tpu.core_type = #tpu.core_type<tc>, window_params = [{transform_indices = @transform_0, window_bounds = array<i64: 256, 128>}, {transform_indices = @transform_1, window_bounds = array<i64: 256, 128>}, {transform_indices = @transform_2, window_bounds = array<i64: 256, 8>}, {pipeline_mode = #tpu.pipeline_mode<synchronous>, transform_indices = @transform_3, window_bounds = array<i64: 128, 128>}, {pipeline_mode = #tpu.pipeline_mode<synchronous>, transform_indices = @transform_4, window_bounds = array<i64: 128, 128>}, {pipeline_mode = #tpu.pipeline_mode<synchronous>, transform_indices = @transform_5, window_bounds = array<i64: 1, 128>}, {transform_indices = @transform_6, window_bounds = array<i64: 256, 160>}]} {
    %get3A = arith.constant 0 : index
    %get3A_0 = arith.constant 0 : index
    %get3A_1 = vector.load %arg1[%get3A, %get3A_0] : memref<256x128xf32, #tpu.memory_space<vmem>>, vector<256x128xf32>
    %convert_element_type3A = arith.truncf %get3A_1 : vector<256x128xf32> to vector<256x128xbf16>
    %get3A_2 = arith.constant 0 : index
    %get3A_3 = arith.constant 0 : index
    %get3A_4 = vector.load %arg4[%get3A_2, %get3A_3] : memref<128x128xf32, #tpu.memory_space<vmem>>, vector<128x128xf32>
    %convert_element_type3A_5 = arith.truncf %get3A_4 : vector<128x128xf32> to vector<128x128xbf16>
    %dot_general3A = arith.constant dense<0.000000e+00> : vector<256x128xf32>
    %dot_general3A_6 = tpu.matmul %convert_element_type3A, %convert_element_type3A_5, %dot_general3A {dimension_numbers = #tpu.dot_dimension_numbers<[1], [0], [0], [1], [0, 0, 1, 1], [], []>, transpose_lhs_hint = false} : vector<256x128xbf16>, vector<128x128xbf16>, vector<256x128xf32> -> vector<256x128xf32>
    %get3A_7 = arith.constant 0 : index
    %get3A_8 = arith.constant 0 : index
    %get3A_9 = vector.load %arg2[%get3A_7, %get3A_8] : memref<256x128xf32, #tpu.memory_space<vmem>>, vector<256x128xf32>
    %convert_element_type3A_10 = arith.truncf %get3A_9 : vector<256x128xf32> to vector<256x128xbf16>
    %get3A_11 = arith.constant 0 : index
    %get3A_12 = arith.constant 0 : index
    %get3A_13 = vector.load %arg5[%get3A_11, %get3A_12] : memref<128x128xf32, #tpu.memory_space<vmem>>, vector<128x128xf32>
    %convert_element_type3A_14 = arith.truncf %get3A_13 : vector<128x128xf32> to vector<128x128xbf16>
    %dot_general3A_15 = arith.constant dense<0.000000e+00> : vector<256x128xf32>
    %dot_general3A_16 = tpu.matmul %convert_element_type3A_10, %convert_element_type3A_14, %dot_general3A_15 {dimension_numbers = #tpu.dot_dimension_numbers<[1], [0], [0], [1], [0, 0, 1, 1], [], []>, transpose_lhs_hint = false} : vector<256x128xbf16>, vector<128x128xbf16>, vector<256x128xf32> -> vector<256x128xf32>
    %add3A = arith.addf %dot_general3A_6, %dot_general3A_16 : vector<256x128xf32>
    %get3A_17 = arith.constant 0 : index
    %get3A_18 = arith.constant 0 : index
    %get3A_19 = vector.load %arg6[%get3A_17, %get3A_18] : memref<1x128xf32, #tpu.memory_space<vmem>>, vector<1x128xf32>
    %add3A_20 = vector.broadcast %get3A_19 : vector<1x128xf32> to vector<256x128xf32>
    %add3A_21 = arith.addf %add3A, %add3A_20 : vector<256x128xf32>
    %convert_element_type3A_22 = arith.truncf %add3A_21 : vector<256x128xf32> to vector<256x128xbf16>
    %swap3A = arith.constant 0 : index
    %swap3A_23 = arith.constant 0 : index
    %swap3A_24 = vector.load %arg7[%swap3A, %swap3A_23] : memref<256x160xbf16, #tpu.memory_space<vmem>>, vector<256x128xbf16>
    tpu.vector_store %arg7[%swap3A, %swap3A_23], %convert_element_type3A_22 {strides = array<i32>} : memref<256x160xbf16, #tpu.memory_space<vmem>>, vector<256x128xbf16>,
    %get3A_25 = arith.constant 0 : index
    %get3A_26 = arith.constant 0 : index
    %get3A_27 = vector.load %arg3[%get3A_25, %get3A_26] : memref<256x8xf32, #tpu.memory_space<vmem>>, vector<256x8xf32>
    %convert_element_type3A_28 = arith.truncf %get3A_27 : vector<256x8xf32> to vector<256x8xbf16>
    %swap3A_29 = arith.constant 0 : index
    %swap3A_30 = arith.constant 128 : index
    %swap3A_31 = vector.load %arg7[%swap3A_29, %swap3A_30] : memref<256x160xbf16, #tpu.memory_space<vmem>>, vector<256x8xbf16>
    tpu.vector_store %arg7[%swap3A_29, %swap3A_30], %convert_element_type3A_28 {strides = array<i32>} : memref<256x160xbf16, #tpu.memory_space<vmem>>, vector<256x8xbf16>,
    %broadcast_in_dim3A = arith.constant 0.000000e+00 : bf16
    %broadcast_in_dim3A_32 = vector.broadcast %broadcast_in_dim3A : bf16 to vector<256x24xbf16>
    %swap3A_33 = arith.constant 0 : index
    %swap3A_34 = arith.constant 136 : index
    %swap3A_35 = vector.load %arg7[%swap3A_33, %swap3A_34] : memref<256x160xbf16, #tpu.memory_space<vmem>>, vector<256x24xbf16>
    tpu.vector_store %arg7[%swap3A_33, %swap3A_34], %broadcast_in_dim3A_32 {strides = array<i32>} : memref<256x160xbf16, #tpu.memory_space<vmem>>, vector<256x24xbf16>,
    return
  }
  func.func @transform_0(%arg0: i32) -> (i32, i32) {
    %c0_i32 = arith.constant 0 : i32
    %c0_i32_0 = arith.constant 0 : i32
    return %arg0, %c0_i32 : i32, i32
  }
  func.func @transform_1(%arg0: i32) -> (i32, i32) {
    %c0_i32 = arith.constant 0 : i32
    %c0_i32_0 = arith.constant 0 : i32
    return %arg0, %c0_i32 : i32, i32
  }
  func.func @transform_2(%arg0: i32) -> (i32, i32) {
    %c0_i32 = arith.constant 0 : i32
    %c0_i32_0 = arith.constant 0 : i32
    return %arg0, %c0_i32 : i32, i32
  }
  func.func @transform_3(%arg0: i32) -> (i32, i32) {
    %c0_i32 = arith.constant 0 : i32
    %c0_i32_0 = arith.constant 0 : i32
    %c0_i32_1 = arith.constant 0 : i32
    return %c0_i32, %c0_i32_0 : i32, i32
  }
  func.func @transform_4(%arg0: i32) -> (i32, i32) {
    %c0_i32 = arith.constant 0 : i32
    %c0_i32_0 = arith.constant 0 : i32
    %c0_i32_1 = arith.constant 0 : i32
    return %c0_i32, %c0_i32_0 : i32, i32
  }
  func.func @transform_5(%arg0: i32) -> (i32, i32) {
    %c0_i32 = arith.constant 0 : i32
    %c0_i32_0 = arith.constant 0 : i32
    %c0_i32_1 = arith.constant 0 : i32
    return %c0_i32, %c0_i32_0 : i32, i32
  }
  func.func @transform_6(%arg0: i32) -> (i32, i32) {
    %c0_i32 = arith.constant 0 : i32
    %c0_i32_0 = arith.constant 0 : i32
    return %arg0, %c0_i32 : i32, i32
  }
}

module attributes {stable_mosaic.version = 14 : i64} {
  func.func @_k2_body(%arg0: i32, %arg1: memref<512x288xbf16, #tpu.memory_space<vmem>>, %arg2: memref<512x160xbf16, #tpu.memory_space<vmem>>, %arg3: memref<512x8xf32, #tpu.memory_space<vmem>>, %arg4: memref<1x32xf32, #tpu.memory_space<vmem>>, %arg5: memref<8x32xf32, #tpu.memory_space<vmem>>, %arg6: memref<32x128xf32, #tpu.memory_space<vmem>>, %arg7: memref<3x128xf32, #tpu.memory_space<vmem>>, %arg8: memref<16x128xf32, #tpu.memory_space<vmem>>, %arg9: memref<128x128xbf16, #tpu.memory_space<vmem>>, %arg10: memref<128x416xbf16, #tpu.memory_space<vmem>>, %arg11: memref<1x416xf32, #tpu.memory_space<vmem>>, %arg12: memref<128x136xbf16, #tpu.memory_space<vmem>>, %arg13: memref<48x136xbf16, #tpu.memory_space<vmem>>, %arg14: memref<48x136xbf16, #tpu.memory_space<vmem>>, %arg15: memref<3x136xf32, #tpu.memory_space<vmem>>, %arg16: memref<3x136xf32, #tpu.memory_space<vmem>>, %arg17: memref<7x136xf32, #tpu.memory_space<vmem>>, %arg18: memref<48x16xf32, #tpu.memory_space<vmem>>, %arg19: memref<16x128xf32, #tpu.memory_space<vmem>>, %arg20: memref<512x144xf32, #tpu.memory_space<vmem>>, %arg21: memref<512x144xf32, #tpu.memory_space<vmem>>) attributes {dimension_semantics = [#tpu.dimension_semantics<arbitrary>], iteration_bounds = array<i64: 320>, scalar_prefetch = 0 : i64, scratch_operands = 0 : i64, tpu.core_type = #tpu.core_type<tc>, window_params = [{transform_indices = @transform_0, window_bounds = array<i64: 512, 288>}, {transform_indices = @transform_1, window_bounds = array<i64: 512, 160>}, {transform_indices = @transform_2, window_bounds = array<i64: 512, 8>}, {pipeline_mode = #tpu.pipeline_mode<synchronous>, transform_indices = @transform_3, window_bounds = array<i64: 1, 32>}, {pipeline_mode = #tpu.pipeline_mode<synchronous>, transform_indices = @transform_4, window_bounds = array<i64: 8, 32>}, {pipeline_mode = #tpu.pipeline_mode<synchronous>, transform_indices = @transform_5, window_bounds = array<i64: 32, 128>}, {pipeline_mode = #tpu.pipeline_mode<synchronous>, transform_indices = @transform_6, window_bounds = array<i64: 3, 128>}, {pipeline_mode = #tpu.pipeline_mode<synchronous>, transform_indices = @transform_7, window_bounds = array<i64: 16, 128>}, {pipeline_mode = #tpu.pipeline_mode<synchronous>, transform_indices = @transform_8, window_bounds = array<i64: 128, 128>}, {pipeline_mode = #tpu.pipeline_mode<synchronous>, transform_indices = @transform_9, window_bounds = array<i64: 128, 416>}, {pipeline_mode = #tpu.pipeline_mode<synchronous>, transform_indices = @transform_10, window_bounds = array<i64: 1, 416>}, {pipeline_mode = #tpu.pipeline_mode<synchronous>, transform_indices = @transform_11, window_bounds = array<i64: 128, 136>}, {pipeline_mode = #tpu.pipeline_mode<synchronous>, transform_indices = @transform_12, window_bounds = array<i64: 48, 136>}, {pipeline_mode = #tpu.pipeline_mode<synchronous>, transform_indices = @transform_13, window_bounds = array<i64: 48, 136>}, {pipeline_mode = #tpu.pipeline_mode<synchronous>, transform_indices = @transform_14, window_bounds = array<i64: 3, 136>}, {pipeline_mode = #tpu.pipeline_mode<synchronous>, transform_indices = @transform_15, window_bounds = array<i64: 3, 136>}, {pipeline_mode = #tpu.pipeline_mode<synchronous>, transform_indices = @transform_16, window_bounds = array<i64: 7, 136>}, {pipeline_mode = #tpu.pipeline_mode<synchronous>, transform_indices = @transform_17, window_bounds = array<i64: 48, 16>}, {pipeline_mode = #tpu.pipeline_mode<synchronous>, transform_indices = @transform_18, window_bounds = array<i64: 16, 128>}, {transform_indices = @transform_19, window_bounds = array<i64: 512, 144>}, {transform_indices = @transform_20, window_bounds = array<i64: 512, 144>}]} {
    %get3A = arith.constant 0 : index
    %get3A_0 = arith.constant 0 : index
    %get3A_1 = vector.load %arg1[%get3A, %get3A_0] : memref<512x288xbf16, #tpu.memory_space<vmem>>, vector<512x288xbf16>
    %convert_element_type3A = arith.extf %get3A_1 : vector<512x288xbf16> to vector<512x288xf32>
    %get3A_2 = arith.constant 0 : index
    %get3A_3 = arith.constant 0 : index
    %get3A_4 = vector.load %arg2[%get3A_2, %get3A_3] : memref<512x160xbf16, #tpu.memory_space<vmem>>, vector<512x160xbf16>
    %convert_element_type3A_5 = arith.extf %get3A_4 : vector<512x160xbf16> to vector<512x160xf32>
    %get3A_6 = arith.constant 0 : index
    %get3A_7 = arith.constant 0 : index
    %get3A_8 = vector.load %arg3[%get3A_6, %get3A_7] : memref<512x8xf32, #tpu.memory_space<vmem>>, vector<512x8xf32>
    %slice3A = vector.extract_strided_slice %convert_element_type3A {offsets = [0, 0], sizes = [512, 128], strides = [1, 1]} : vector<512x288xf32> to vector<512x128xf32>
    %slice3A_9 = vector.extract_strided_slice %get3A_1 {offsets = [0, 0], sizes = [512, 128], strides = [1, 1]} : vector<512x288xbf16> to vector<512x128xbf16>
    %slice3A_10 = vector.extract_strided_slice %get3A_1 {offsets = [0, 128], sizes = [512, 48], strides = [1, 1]} : vector<512x288xbf16> to vector<512x48xbf16>
    %slice3A_11 = vector.extract_strided_slice %convert_element_type3A {offsets = [0, 264], sizes = [512, 3], strides = [1, 1]} : vector<512x288xf32> to vector<512x3xf32>
    %slice3A_12 = vector.extract_strided_slice %convert_element_type3A_5 {offsets = [0, 128], sizes = [512, 3], strides = [1, 1]} : vector<512x160xf32> to vector<512x3xf32>
    %sub3A = arith.subf %slice3A_12, %slice3A_11 : vector<512x3xf32>
    %mul3A = arith.mulf %sub3A, %sub3A : vector<512x3xf32>
    %reduce_sum3A = arith.constant dense<0.000000e+00> : vector<512xf32>
    %reduce_sum3A_13 = vector.multi_reduction <add>, %mul3A, %reduce_sum3A [1] : vector<512x3xf32> to vector<512xf32>
    %broadcast_in_dim3A = vector.shape_cast %reduce_sum3A_13 : vector<512xf32> to vector<512x1xf32>
    %sqrt3A = math.sqrt %broadcast_in_dim3A : vector<512x1xf32>
    %add3A = arith.constant 9.99999971E-10 : f32
    %add3A_14 = vector.broadcast %add3A : f32 to vector<512x1xf32>
    %add3A_15 = arith.addf %sqrt3A, %add3A_14 : vector<512x1xf32>
    %div3A = vector.broadcast %add3A_15 : vector<512x1xf32> to vector<512x3xf32>
    %div3A_16 = arith.divf %sub3A, %div3A : vector<512x3xf32>
    %iota3A = tpu.iota {dimensions = array<i32: 1>} : vector<512x16xi32>
    %convert_element_type3A_17 = arith.sitofp %iota3A : vector<512x16xi32> to vector<512x16xf32>
    %mul3A_18 = arith.constant 0.333333343 : f32
    %mul3A_19 = vector.broadcast %mul3A_18 : f32 to vector<512x16xf32>
    %mul3A_20 = arith.mulf %convert_element_type3A_17, %mul3A_19 : vector<512x16xf32>
    %sub3A_21 = vector.broadcast %sqrt3A : vector<512x1xf32> to vector<512x16xf32>
    %sub3A_22 = arith.subf %sub3A_21, %mul3A_20 : vector<512x16xf32>
    %div3A_23 = arith.constant 3.125000e-01 : f32
    %div3A_24 = vector.broadcast %div3A_23 : f32 to vector<512x16xf32>
    %div3A_25 = arith.divf %sub3A_22, %div3A_24 : vector<512x16xf32>
    %integer_pow3A = arith.mulf %div3A_25, %div3A_25 : vector<512x16xf32>
    %neg3A = arith.constant 0.000000e+00 : f32
    %neg3A_26 = vector.broadcast %neg3A : f32 to vector<512x16xf32>
    %neg3A_27 = arith.subf %neg3A_26, %integer_pow3A : vector<512x16xf32>
    %exp3A = math.exp %neg3A_27 : vector<512x16xf32>
    %get3A_28 = arith.constant 0 : index
    %get3A_29 = arith.constant 0 : index
    %get3A_30 = vector.load %arg5[%get3A_28, %get3A_29] : memref<8x32xf32, #tpu.memory_space<vmem>>, vector<8x32xf32>
    %dot_general3A = arith.constant dense<0.000000e+00> : vector<512x32xf32>
    %dot_general3A_31 = tpu.matmul %get3A_8, %get3A_30, %dot_general3A {dimension_numbers = #tpu.dot_dimension_numbers<[1], [0], [0], [1], [0, 0, 1, 1], [], []>, transpose_lhs_hint = false} : vector<512x8xf32>, vector<8x32xf32>, vector<512x32xf32> -> vector<512x32xf32>
    %get3A_32 = arith.constant 0 : index
    %get3A_33 = arith.constant 0 : index
    %get3A_34 = vector.load %arg4[%get3A_32, %get3A_33] : memref<1x32xf32, #tpu.memory_space<vmem>>, vector<1x32xf32>
    %eq3A = vector.broadcast %get3A_34 : vector<1x32xf32> to vector<512x32xf32>
    %eq3A_35 = arith.cmpf oeq, %dot_general3A_31, %eq3A : vector<512x32xf32>
    %convert_element_type3A_36 = arith.extui %eq3A_35 : vector<512x32xi1> to vector<512x32xi32>
    %convert_element_type3A_37 = arith.sitofp %convert_element_type3A_36 : vector<512x32xi32> to vector<512x32xf32>
    %slice3A_38 = vector.extract_strided_slice %get3A_8 {offsets = [0, 5], sizes = [512, 1], strides = [1, 1]} : vector<512x8xf32> to vector<512x1xf32>
    %sub3A_39 = arith.subf %sqrt3A, %slice3A_38 : vector<512x1xf32>
    %gt3A = arith.constant 0.000000e+00 : f32
    %gt3A_40 = vector.broadcast %gt3A : f32 to vector<512x1xf32>
    %gt3A_41 = arith.cmpf ogt, %slice3A_38, %gt3A_40 : vector<512x1xf32>
    %convert_element_type3A_42 = arith.extui %gt3A_41 : vector<512x1xi1> to vector<512x1xi32>
    %convert_element_type3A_43 = arith.sitofp %convert_element_type3A_42 : vector<512x1xi32> to vector<512x1xf32>
    %abs3A = math.absf %sub3A_39 : vector<512x1xf32>
    %concatenate3A = tpu.concatenate %abs3A, %sub3A_39, %convert_element_type3A_43 in 1 : vector<512x1xf32>, vector<512x1xf32>, vector<512x1xf32> -> vector<512x3xf32>
    %get3A_44 = arith.constant 0 : index
    %get3A_45 = arith.constant 0 : index
    %get3A_46 = vector.load %arg6[%get3A_44, %get3A_45] : memref<32x128xf32, #tpu.memory_space<vmem>>, vector<32x128xf32>
    %dot_general3A_47 = arith.constant dense<0.000000e+00> : vector<512x128xf32>
    %dot_general3A_48 = tpu.matmul %convert_element_type3A_37, %get3A_46, %dot_general3A_47 {dimension_numbers = #tpu.dot_dimension_numbers<[1], [0], [0], [1], [0, 0, 1, 1], [], []>, transpose_lhs_hint = false} : vector<512x32xf32>, vector<32x128xf32>, vector<512x128xf32> -> vector<512x128xf32>
    %get3A_49 = arith.constant 0 : index
    %get3A_50 = arith.constant 0 : index
    %get3A_51 = vector.load %arg7[%get3A_49, %get3A_50] : memref<3x128xf32, #tpu.memory_space<vmem>>, vector<3x128xf32>
    %dot_general3A_52 = arith.constant dense<0.000000e+00> : vector<512x128xf32>
    %dot_general3A_53 = tpu.matmul %concatenate3A, %get3A_51, %dot_general3A_52 {dimension_numbers = #tpu.dot_dimension_numbers<[1], [0], [0], [1], [0, 0, 1, 1], [], []>, transpose_lhs_hint = false} : vector<512x3xf32>, vector<3x128xf32>, vector<512x128xf32> -> vector<512x128xf32>
    %add3A_54 = arith.addf %dot_general3A_48, %dot_general3A_53 : vector<512x128xf32>
    %get3A_55 = arith.constant 0 : index
    %get3A_56 = arith.constant 0 : index
    %get3A_57 = vector.load %arg8[%get3A_55, %get3A_56] : memref<16x128xf32, #tpu.memory_space<vmem>>, vector<16x128xf32>
    %dot_general3A_58 = arith.constant dense<0.000000e+00> : vector<512x128xf32>
    %dot_general3A_59 = tpu.matmul %exp3A, %get3A_57, %dot_general3A_58 {dimension_numbers = #tpu.dot_dimension_numbers<[1], [0], [0], [1], [0, 0, 1, 1], [], []>, transpose_lhs_hint = false} : vector<512x16xf32>, vector<16x128xf32>, vector<512x128xf32> -> vector<512x128xf32>
    %add3A_60 = arith.addf %add3A_54, %dot_general3A_59 : vector<512x128xf32>
    %get3A_61 = arith.constant 0 : index
    %get3A_62 = arith.constant 0 : index
    %get3A_63 = vector.load %arg9[%get3A_61, %get3A_62] : memref<128x128xbf16, #tpu.memory_space<vmem>>, vector<128x128xbf16>
    %dot_general3A_64 = arith.constant dense<0.000000e+00> : vector<512x128xf32>
    %dot_general3A_65 = tpu.matmul %slice3A_9, %get3A_63, %dot_general3A_64 {dimension_numbers = #tpu.dot_dimension_numbers<[1], [0], [0], [1], [0, 0, 1, 1], [], []>, transpose_lhs_hint = false} : vector<512x128xbf16>, vector<128x128xbf16>, vector<512x128xf32> -> vector<512x128xf32>
    %add3A_66 = arith.addf %add3A_60, %dot_general3A_65 : vector<512x128xf32>
    %slice3A_67 = vector.extract_strided_slice %convert_element_type3A_5 {offsets = [0, 0], sizes = [512, 128], strides = [1, 1]} : vector<512x160xf32> to vector<512x128xf32>
    %add3A_68 = arith.addf %add3A_66, %slice3A_67 : vector<512x128xf32>
    %neg3A_69 = arith.constant 0.000000e+00 : f32
    %neg3A_70 = vector.broadcast %neg3A_69 : f32 to vector<512x128xf32>
    %neg3A_71 = arith.subf %neg3A_70, %add3A_68 : vector<512x128xf32>
    %exp3A_72 = math.exp %neg3A_71 : vector<512x128xf32>
    %add3A_73 = arith.constant 1.000000e+00 : f32
    %add3A_74 = vector.broadcast %add3A_73 : f32 to vector<512x128xf32>
    %add3A_75 = arith.addf %add3A_74, %exp3A_72 : vector<512x128xf32>
    %div3A_76 = arith.constant 1.000000e+00 : f32
    %div3A_77 = vector.broadcast %div3A_76 : f32 to vector<512x128xf32>
    %div3A_78 = arith.divf %div3A_77, %add3A_75 : vector<512x128xf32>
    %mul3A_79 = arith.mulf %add3A_68, %div3A_78 : vector<512x128xf32>
    %convert_element_type3A_80 = arith.truncf %mul3A_79 : vector<512x128xf32> to vector<512x128xbf16>
    %get3A_81 = arith.constant 0 : index
    %get3A_82 = arith.constant 0 : index
    %get3A_83 = vector.load %arg10[%get3A_81, %get3A_82] : memref<128x416xbf16, #tpu.memory_space<vmem>>, vector<128x416xbf16>
    %dot_general3A_84 = arith.constant dense<0.000000e+00> : vector<512x416xf32>
    %dot_general3A_85 = tpu.matmul %convert_element_type3A_80, %get3A_83, %dot_general3A_84 {dimension_numbers = #tpu.dot_dimension_numbers<[1], [0], [0], [1], [0, 0, 1, 1], [], []>, transpose_lhs_hint = false} : vector<512x128xbf16>, vector<128x416xbf16>, vector<512x416xf32> -> vector<512x416xf32>
    %get3A_86 = arith.constant 0 : index
    %get3A_87 = arith.constant 0 : index
    %get3A_88 = vector.load %arg11[%get3A_86, %get3A_87] : memref<1x416xf32, #tpu.memory_space<vmem>>, vector<1x416xf32>
    %add3A_89 = vector.broadcast %get3A_88 : vector<1x416xf32> to vector<512x416xf32>
    %add3A_90 = arith.addf %dot_general3A_85, %add3A_89 : vector<512x416xf32>
    %slice3A_91 = vector.extract_strided_slice %convert_element_type3A {offsets = [0, 128], sizes = [512, 48], strides = [1, 1]} : vector<512x288xf32> to vector<512x48xf32>
    %slice3A_92 = vector.extract_strided_slice %convert_element_type3A {offsets = [0, 128], sizes = [512, 136], strides = [1, 1]} : vector<512x288xf32> to vector<512x136xf32>
    %slice3A_93 = vector.extract_strided_slice %div3A_16 {offsets = [0, 1], sizes = [512, 2], strides = [1, 1]} : vector<512x3xf32> to vector<512x2xf32>
    %slice3A_94 = vector.extract_strided_slice %div3A_16 {offsets = [0, 0], sizes = [512, 1], strides = [1, 1]} : vector<512x3xf32> to vector<512x1xf32>
    %concatenate3A_95 = tpu.concatenate %slice3A_93, %slice3A_94 in 1 : vector<512x2xf32>, vector<512x1xf32> -> vector<512x3xf32>
    %mul3A_96 = arith.mulf %div3A_16, %div3A_16 : vector<512x3xf32>
    %mul3A_97 = arith.mulf %div3A_16, %concatenate3A_95 : vector<512x3xf32>
    %broadcast_in_dim3A_98 = arith.constant 1.000000e+00 : f32
    %broadcast_in_dim3A_99 = vector.broadcast %broadcast_in_dim3A_98 : f32 to vector<512x1xf32>
    %concatenate3A_100 = tpu.concatenate %mul3A_96, %mul3A_97, %broadcast_in_dim3A_99 in 1 : vector<512x3xf32>, vector<512x3xf32>, vector<512x1xf32> -> vector<512x7xf32>
    %get3A_101 = arith.constant 0 : index
    %get3A_102 = arith.constant 0 : index
    %get3A_103 = vector.load %arg12[%get3A_101, %get3A_102] : memref<128x136xbf16, #tpu.memory_space<vmem>>, vector<128x136xbf16>
    %dot_general3A_104 = arith.constant dense<0.000000e+00> : vector<512x136xf32>
    %dot_general3A_105 = tpu.matmul %slice3A_9, %get3A_103, %dot_general3A_104 {dimension_numbers = #tpu.dot_dimension_numbers<[1], [0], [0], [1], [0, 0, 1, 1], [], []>, transpose_lhs_hint = false} : vector<512x128xbf16>, vector<128x136xbf16>, vector<512x136xf32> -> vector<512x136xf32>
    %get3A_106 = arith.constant 0 : index
    %get3A_107 = arith.constant 0 : index
    %get3A_108 = vector.load %arg13[%get3A_106, %get3A_107] : memref<48x136xbf16, #tpu.memory_space<vmem>>, vector<48x136xbf16>
    %dot_general3A_109 = arith.constant dense<0.000000e+00> : vector<512x136xf32>
    %dot_general3A_110 = tpu.matmul %slice3A_10, %get3A_108, %dot_general3A_109 {dimension_numbers = #tpu.dot_dimension_numbers<[1], [0], [0], [1], [0, 0, 1, 1], [], []>, transpose_lhs_hint = false} : vector<512x48xbf16>, vector<48x136xbf16>, vector<512x136xf32> -> vector<512x136xf32>
    %add3A_111 = arith.addf %dot_general3A_105, %dot_general3A_110 : vector<512x136xf32>
    %get3A_112 = arith.constant 0 : index
    %get3A_113 = arith.constant 0 : index
    %get3A_114 = vector.load %arg14[%get3A_112, %get3A_113] : memref<48x136xbf16, #tpu.memory_space<vmem>>, vector<48x136xbf16>
    %dot_general3A_115 = arith.constant dense<0.000000e+00> : vector<512x136xf32>
    %dot_general3A_116 = tpu.matmul %slice3A_10, %get3A_114, %dot_general3A_115 {dimension_numbers = #tpu.dot_dimension_numbers<[1], [0], [0], [1], [0, 0, 1, 1], [], []>, transpose_lhs_hint = false} : vector<512x48xbf16>, vector<48x136xbf16>, vector<512x136xf32> -> vector<512x136xf32>
    %get3A_117 = arith.constant 0 : index
    %get3A_118 = arith.constant 0 : index
    %get3A_119 = vector.load %arg15[%get3A_117, %get3A_118] : memref<3x136xf32, #tpu.memory_space<vmem>>, vector<3x136xf32>
    %dot_general3A_120 = arith.constant dense<0.000000e+00> : vector<512x136xf32>
    %dot_general3A_121 = tpu.matmul %div3A_16, %get3A_119, %dot_general3A_120 {dimension_numbers = #tpu.dot_dimension_numbers<[1], [0], [0], [1], [0, 0, 1, 1], [], []>, transpose_lhs_hint = false} : vector<512x3xf32>, vector<3x136xf32>, vector<512x136xf32> -> vector<512x136xf32>
    %get3A_122 = arith.constant 0 : index
    %get3A_123 = arith.constant 0 : index
    %get3A_124 = vector.load %arg17[%get3A_122, %get3A_123] : memref<7x136xf32, #tpu.memory_space<vmem>>, vector<7x136xf32>
    %dot_general3A_125 = arith.constant dense<0.000000e+00> : vector<512x136xf32>
    %dot_general3A_126 = tpu.matmul %concatenate3A_100, %get3A_124, %dot_general3A_125 {dimension_numbers = #tpu.dot_dimension_numbers<[1], [0], [0], [1], [0, 0, 1, 1], [], []>, transpose_lhs_hint = false} : vector<512x7xf32>, vector<7x136xf32>, vector<512x136xf32> -> vector<512x136xf32>
    %add3A_127 = arith.addf %dot_general3A_121, %dot_general3A_126 : vector<512x136xf32>
    %get3A_128 = arith.constant 0 : index
    %get3A_129 = arith.constant 0 : index
    %get3A_130 = vector.load %arg16[%get3A_128, %get3A_129] : memref<3x136xf32, #tpu.memory_space<vmem>>, vector<3x136xf32>
    %dot_general3A_131 = arith.constant dense<0.000000e+00> : vector<512x136xf32>
    %dot_general3A_132 = tpu.matmul %div3A_16, %get3A_130, %dot_general3A_131 {dimension_numbers = #tpu.dot_dimension_numbers<[1], [0], [0], [1], [0, 0, 1, 1], [], []>, transpose_lhs_hint = false} : vector<512x3xf32>, vector<3x136xf32>, vector<512x136xf32> -> vector<512x136xf32>
    %mul3A_133 = arith.mulf %add3A_111, %add3A_127 : vector<512x136xf32>
    %mul3A_134 = arith.mulf %dot_general3A_116, %dot_general3A_132 : vector<512x136xf32>
    %sub3A_135 = arith.subf %mul3A_133, %mul3A_134 : vector<512x136xf32>
    %slice3A_136 = vector.extract_strided_slice %add3A_90 {offsets = [0, 128], sizes = [512, 136], strides = [1, 1]} : vector<512x416xf32> to vector<512x136xf32>
    %slice3A_137 = vector.extract_strided_slice %add3A_90 {offsets = [0, 264], sizes = [512, 136], strides = [1, 1]} : vector<512x416xf32> to vector<512x136xf32>
    %mul3A_138 = arith.mulf %slice3A_136, %slice3A_92 : vector<512x136xf32>
    %mul3A_139 = arith.mulf %slice3A_137, %sub3A_135 : vector<512x136xf32>
    %add3A_140 = arith.addf %mul3A_138, %mul3A_139 : vector<512x136xf32>
    %slice3A_141 = vector.extract_strided_slice %add3A_127 {offsets = [0, 0], sizes = [512, 48], strides = [1, 1]} : vector<512x136xf32> to vector<512x48xf32>
    %mul3A_142 = arith.mulf %slice3A_91, %slice3A_141 : vector<512x48xf32>
    %get3A_143 = arith.constant 0 : index
    %get3A_144 = arith.constant 0 : index
    %get3A_145 = vector.load %arg18[%get3A_143, %get3A_144] : memref<48x16xf32, #tpu.memory_space<vmem>>, vector<48x16xf32>
    %dot_general3A_146 = arith.constant dense<0.000000e+00> : vector<512x16xf32>
    %dot_general3A_147 = tpu.matmul %mul3A_142, %get3A_145, %dot_general3A_146 {dimension_numbers = #tpu.dot_dimension_numbers<[1], [0], [0], [1], [0, 0, 1, 1], [], []>, transpose_lhs_hint = false} : vector<512x48xf32>, vector<48x16xf32>, vector<512x16xf32> -> vector<512x16xf32>
    %slice3A_148 = vector.extract_strided_slice %add3A_90 {offsets = [0, 400], sizes = [512, 16], strides = [1, 1]} : vector<512x416xf32> to vector<512x16xf32>
    %slice3A_149 = vector.extract_strided_slice %add3A_90 {offsets = [0, 0], sizes = [512, 128], strides = [1, 1]} : vector<512x416xf32> to vector<512x128xf32>
    %mul3A_150 = arith.mulf %slice3A_149, %slice3A : vector<512x128xf32>
    %mul3A_151 = arith.mulf %slice3A_148, %dot_general3A_147 : vector<512x16xf32>
    %get3A_152 = arith.constant 0 : index
    %get3A_153 = arith.constant 0 : index
    %get3A_154 = vector.load %arg19[%get3A_152, %get3A_153] : memref<16x128xf32, #tpu.memory_space<vmem>>, vector<16x128xf32>
    %dot_general3A_155 = arith.constant dense<0.000000e+00> : vector<512x128xf32>
    %dot_general3A_156 = tpu.matmul %mul3A_151, %get3A_154, %dot_general3A_155 {dimension_numbers = #tpu.dot_dimension_numbers<[1], [0], [0], [1], [0, 0, 1, 1], [], []>, transpose_lhs_hint = false} : vector<512x16xf32>, vector<16x128xf32>, vector<512x128xf32> -> vector<512x128xf32>
    %add3A_157 = arith.addf %mul3A_150, %dot_general3A_156 : vector<512x128xf32>
    %mul3A_158 = arith.constant 2.500000e-01 : f32
    %mul3A_159 = vector.broadcast %mul3A_158 : f32 to vector<512x128xf32>
    %mul3A_160 = arith.mulf %mul3A_159, %add3A_157 : vector<512x128xf32>
    %swap3A = arith.constant 0 : index
    %swap3A_161 = arith.constant 0 : index
    %swap3A_162 = vector.load %arg20[%swap3A, %swap3A_161] : memref<512x144xf32, #tpu.memory_space<vmem>>, vector<512x128xf32>
    tpu.vector_store %arg20[%swap3A, %swap3A_161], %mul3A_160 {strides = array<i32>} : memref<512x144xf32, #tpu.memory_space<vmem>>, vector<512x128xf32>,
    %broadcast_in_dim3A_163 = arith.constant 0.000000e+00 : f32
    %broadcast_in_dim3A_164 = vector.broadcast %broadcast_in_dim3A_163 : f32 to vector<512x16xf32>
    %swap3A_165 = arith.constant 0 : index
    %swap3A_166 = arith.constant 128 : index
    %swap3A_167 = vector.load %arg20[%swap3A_165, %swap3A_166] : memref<512x144xf32, #tpu.memory_space<vmem>>, vector<512x16xf32>
    tpu.vector_store %arg20[%swap3A_165, %swap3A_166], %broadcast_in_dim3A_164 {strides = array<i32>} : memref<512x144xf32, #tpu.memory_space<vmem>>, vector<512x16xf32>,
    %mul3A_168 = arith.constant 2.500000e-01 : f32
    %mul3A_169 = vector.broadcast %mul3A_168 : f32 to vector<512x136xf32>
    %mul3A_170 = arith.mulf %mul3A_169, %add3A_140 : vector<512x136xf32>
    %swap3A_171 = arith.constant 0 : index
    %swap3A_172 = arith.constant 0 : index
    %swap3A_173 = vector.load %arg21[%swap3A_171, %swap3A_172] : memref<512x144xf32, #tpu.memory_space<vmem>>, vector<512x136xf32>
    tpu.vector_store %arg21[%swap3A_171, %swap3A_172], %mul3A_170 {strides = array<i32>} : memref<512x144xf32, #tpu.memory_space<vmem>>, vector<512x136xf32>,
    %broadcast_in_dim3A_174 = arith.constant 0.000000e+00 : f32
    %broadcast_in_dim3A_175 = vector.broadcast %broadcast_in_dim3A_174 : f32 to vector<512x8xf32>
    %swap3A_176 = arith.constant 0 : index
    %swap3A_177 = arith.constant 136 : index
    %swap3A_178 = vector.load %arg21[%swap3A_176, %swap3A_177] : memref<512x144xf32, #tpu.memory_space<vmem>>, vector<512x8xf32>
    tpu.vector_store %arg21[%swap3A_176, %swap3A_177], %broadcast_in_dim3A_175 {strides = array<i32>} : memref<512x144xf32, #tpu.memory_space<vmem>>, vector<512x8xf32>,
    return
  }
  func.func @transform_0(%arg0: i32) -> (i32, i32) {
    %c0_i32 = arith.constant 0 : i32
    %c0_i32_0 = arith.constant 0 : i32
    return %arg0, %c0_i32 : i32, i32
  }
  func.func @transform_1(%arg0: i32) -> (i32, i32) {
    %c0_i32 = arith.constant 0 : i32
    %c0_i32_0 = arith.constant 0 : i32
    return %arg0, %c0_i32 : i32, i32
  }
  func.func @transform_2(%arg0: i32) -> (i32, i32) {
    %c0_i32 = arith.constant 0 : i32
    %c0_i32_0 = arith.constant 0 : i32
    return %arg0, %c0_i32 : i32, i32
  }
  func.func @transform_3(%arg0: i32) -> (i32, i32) {
    %c0_i32 = arith.constant 0 : i32
    %c0_i32_0 = arith.constant 0 : i32
    %c0_i32_1 = arith.constant 0 : i32
    return %c0_i32, %c0_i32_0 : i32, i32
  }
  func.func @transform_4(%arg0: i32) -> (i32, i32) {
    %c0_i32 = arith.constant 0 : i32
    %c0_i32_0 = arith.constant 0 : i32
    %c0_i32_1 = arith.constant 0 : i32
    return %c0_i32, %c0_i32_0 : i32, i32
  }
  func.func @transform_5(%arg0: i32) -> (i32, i32) {
    %c0_i32 = arith.constant 0 : i32
    %c0_i32_0 = arith.constant 0 : i32
    %c0_i32_1 = arith.constant 0 : i32
    return %c0_i32, %c0_i32_0 : i32, i32
  }
  func.func @transform_6(%arg0: i32) -> (i32, i32) {
    %c0_i32 = arith.constant 0 : i32
    %c0_i32_0 = arith.constant 0 : i32
    %c0_i32_1 = arith.constant 0 : i32
    return %c0_i32, %c0_i32_0 : i32, i32
  }
  func.func @transform_7(%arg0: i32) -> (i32, i32) {
    %c0_i32 = arith.constant 0 : i32
    %c0_i32_0 = arith.constant 0 : i32
    %c0_i32_1 = arith.constant 0 : i32
    return %c0_i32, %c0_i32_0 : i32, i32
  }
  func.func @transform_8(%arg0: i32) -> (i32, i32) {
    %c0_i32 = arith.constant 0 : i32
    %c0_i32_0 = arith.constant 0 : i32
    %c0_i32_1 = arith.constant 0 : i32
    return %c0_i32, %c0_i32_0 : i32, i32
  }
  func.func @transform_9(%arg0: i32) -> (i32, i32) {
    %c0_i32 = arith.constant 0 : i32
    %c0_i32_0 = arith.constant 0 : i32
    %c0_i32_1 = arith.constant 0 : i32
    return %c0_i32, %c0_i32_0 : i32, i32
  }
  func.func @transform_10(%arg0: i32) -> (i32, i32) {
    %c0_i32 = arith.constant 0 : i32
    %c0_i32_0 = arith.constant 0 : i32
    %c0_i32_1 = arith.constant 0 : i32
    return %c0_i32, %c0_i32_0 : i32, i32
  }
  func.func @transform_11(%arg0: i32) -> (i32, i32) {
    %c0_i32 = arith.constant 0 : i32
    %c0_i32_0 = arith.constant 0 : i32
    %c0_i32_1 = arith.constant 0 : i32
    return %c0_i32, %c0_i32_0 : i32, i32
  }
  func.func @transform_12(%arg0: i32) -> (i32, i32) {
    %c0_i32 = arith.constant 0 : i32
    %c0_i32_0 = arith.constant 0 : i32
    %c0_i32_1 = arith.constant 0 : i32
    return %c0_i32, %c0_i32_0 : i32, i32
  }
  func.func @transform_13(%arg0: i32) -> (i32, i32) {
    %c0_i32 = arith.constant 0 : i32
    %c0_i32_0 = arith.constant 0 : i32
    %c0_i32_1 = arith.constant 0 : i32
    return %c0_i32, %c0_i32_0 : i32, i32
  }
  func.func @transform_14(%arg0: i32) -> (i32, i32) {
    %c0_i32 = arith.constant 0 : i32
    %c0_i32_0 = arith.constant 0 : i32
    %c0_i32_1 = arith.constant 0 : i32
    return %c0_i32, %c0_i32_0 : i32, i32
  }
  func.func @transform_15(%arg0: i32) -> (i32, i32) {
    %c0_i32 = arith.constant 0 : i32
    %c0_i32_0 = arith.constant 0 : i32
    %c0_i32_1 = arith.constant 0 : i32
    return %c0_i32, %c0_i32_0 : i32, i32
  }
  func.func @transform_16(%arg0: i32) -> (i32, i32) {
    %c0_i32 = arith.constant 0 : i32
    %c0_i32_0 = arith.constant 0 : i32
    %c0_i32_1 = arith.constant 0 : i32
    return %c0_i32, %c0_i32_0 : i32, i32
  }
  func.func @transform_17(%arg0: i32) -> (i32, i32) {
    %c0_i32 = arith.constant 0 : i32
    %c0_i32_0 = arith.constant 0 : i32
    %c0_i32_1 = arith.constant 0 : i32
    return %c0_i32, %c0_i32_0 : i32, i32
  }
  func.func @transform_18(%arg0: i32) -> (i32, i32) {
    %c0_i32 = arith.constant 0 : i32
    %c0_i32_0 = arith.constant 0 : i32
    %c0_i32_1 = arith.constant 0 : i32
    return %c0_i32, %c0_i32_0 : i32, i32
  }
  func.func @transform_19(%arg0: i32) -> (i32, i32) {
    %c0_i32 = arith.constant 0 : i32
    %c0_i32_0 = arith.constant 0 : i32
    return %arg0, %c0_i32 : i32, i32
  }
  func.func @transform_20(%arg0: i32) -> (i32, i32) {
    %c0_i32 = arith.constant 0 : i32
    %c0_i32_0 = arith.constant 0 : i32
    return %arg0, %c0_i32 : i32, i32
  }
}

module attributes {stable_mosaic.version = 14 : i64} {
  func.func @_k4_body(%arg0: i32, %arg1: memref<256x144xf32, #tpu.memory_space<vmem>>, %arg2: memref<256x144xf32, #tpu.memory_space<vmem>>, %arg3: memref<256x264xf32, #tpu.memory_space<vmem>>, %arg4: memref<256x128xf32, #tpu.memory_space<vmem>>, %arg5: memref<144x264xf32, #tpu.memory_space<vmem>>, %arg6: memref<144x264xf32, #tpu.memory_space<vmem>>, %arg7: memref<128x296xf32, #tpu.memory_space<vmem>>, %arg8: memref<1x296xf32, #tpu.memory_space<vmem>>, %arg9: memref<256x264xf32, #tpu.memory_space<vmem>>) attributes {dimension_semantics = [#tpu.dimension_semantics<arbitrary>], iteration_bounds = array<i64: 40>, scalar_prefetch = 0 : i64, scratch_operands = 0 : i64, tpu.core_type = #tpu.core_type<tc>, window_params = [{transform_indices = @transform_0, window_bounds = array<i64: 256, 144>}, {transform_indices = @transform_1, window_bounds = array<i64: 256, 144>}, {transform_indices = @transform_2, window_bounds = array<i64: 256, 264>}, {transform_indices = @transform_3, window_bounds = array<i64: 256, 128>}, {pipeline_mode = #tpu.pipeline_mode<synchronous>, transform_indices = @transform_4, window_bounds = array<i64: 144, 264>}, {pipeline_mode = #tpu.pipeline_mode<synchronous>, transform_indices = @transform_5, window_bounds = array<i64: 144, 264>}, {pipeline_mode = #tpu.pipeline_mode<synchronous>, transform_indices = @transform_6, window_bounds = array<i64: 128, 296>}, {pipeline_mode = #tpu.pipeline_mode<synchronous>, transform_indices = @transform_7, window_bounds = array<i64: 1, 296>}, {transform_indices = @transform_8, window_bounds = array<i64: 256, 264>}]} {
    %get3A = arith.constant 0 : index
    %get3A_0 = arith.constant 0 : index
    %get3A_1 = vector.load %arg1[%get3A, %get3A_0] : memref<256x144xf32, #tpu.memory_space<vmem>>, vector<256x144xf32>
    %get3A_2 = arith.constant 0 : index
    %get3A_3 = arith.constant 0 : index
    %get3A_4 = vector.load %arg2[%get3A_2, %get3A_3] : memref<256x144xf32, #tpu.memory_space<vmem>>, vector<256x144xf32>
    %get3A_5 = arith.constant 0 : index
    %get3A_6 = arith.constant 0 : index
    %get3A_7 = vector.load %arg3[%get3A_5, %get3A_6] : memref<256x264xf32, #tpu.memory_space<vmem>>, vector<256x264xf32>
    %get3A_8 = arith.constant 0 : index
    %get3A_9 = arith.constant 0 : index
    %get3A_10 = vector.load %arg4[%get3A_8, %get3A_9] : memref<256x128xf32, #tpu.memory_space<vmem>>, vector<256x128xf32>
    %get3A_11 = arith.constant 0 : index
    %get3A_12 = arith.constant 0 : index
    %get3A_13 = vector.load %arg5[%get3A_11, %get3A_12] : memref<144x264xf32, #tpu.memory_space<vmem>>, vector<144x264xf32>
    %dot_general3A = arith.constant dense<0.000000e+00> : vector<256x264xf32>
    %dot_general3A_14 = tpu.matmul %get3A_1, %get3A_13, %dot_general3A {dimension_numbers = #tpu.dot_dimension_numbers<[1], [0], [0], [1], [0, 0, 1, 1], [], []>, transpose_lhs_hint = false} : vector<256x144xf32>, vector<144x264xf32>, vector<256x264xf32> -> vector<256x264xf32>
    %get3A_15 = arith.constant 0 : index
    %get3A_16 = arith.constant 0 : index
    %get3A_17 = vector.load %arg6[%get3A_15, %get3A_16] : memref<144x264xf32, #tpu.memory_space<vmem>>, vector<144x264xf32>
    %dot_general3A_18 = arith.constant dense<0.000000e+00> : vector<256x264xf32>
    %dot_general3A_19 = tpu.matmul %get3A_4, %get3A_17, %dot_general3A_18 {dimension_numbers = #tpu.dot_dimension_numbers<[1], [0], [0], [1], [0, 0, 1, 1], [], []>, transpose_lhs_hint = false} : vector<256x144xf32>, vector<144x264xf32>, vector<256x264xf32> -> vector<256x264xf32>
    %add3A = arith.addf %dot_general3A_14, %dot_general3A_19 : vector<256x264xf32>
    %slice3A = vector.extract_strided_slice %add3A {offsets = [0, 0], sizes = [256, 128], strides = [1, 1]} : vector<256x264xf32> to vector<256x128xf32>
    %neg3A = arith.constant 0.000000e+00 : f32
    %neg3A_20 = vector.broadcast %neg3A : f32 to vector<256x128xf32>
    %neg3A_21 = arith.subf %neg3A_20, %slice3A : vector<256x128xf32>
    %exp3A = math.exp %neg3A_21 : vector<256x128xf32>
    %add3A_22 = arith.constant 1.000000e+00 : f32
    %add3A_23 = vector.broadcast %add3A_22 : f32 to vector<256x128xf32>
    %add3A_24 = arith.addf %add3A_23, %exp3A : vector<256x128xf32>
    %div3A = arith.constant 1.000000e+00 : f32
    %div3A_25 = vector.broadcast %div3A : f32 to vector<256x128xf32>
    %div3A_26 = arith.divf %div3A_25, %add3A_24 : vector<256x128xf32>
    %mul3A = arith.mulf %slice3A, %div3A_26 : vector<256x128xf32>
    %slice3A_27 = vector.extract_strided_slice %get3A_7 {offsets = [0, 0], sizes = [256, 128], strides = [1, 1]} : vector<256x264xf32> to vector<256x128xf32>
    %add3A_28 = arith.addf %slice3A_27, %mul3A : vector<256x128xf32>
    %slice3A_29 = vector.extract_strided_slice %get3A_7 {offsets = [0, 128], sizes = [256, 136], strides = [1, 1]} : vector<256x264xf32> to vector<256x136xf32>
    %slice3A_30 = vector.extract_strided_slice %add3A {offsets = [0, 128], sizes = [256, 136], strides = [1, 1]} : vector<256x264xf32> to vector<256x136xf32>
    %add3A_31 = arith.addf %slice3A_29, %slice3A_30 : vector<256x136xf32>
    %get3A_32 = arith.constant 0 : index
    %get3A_33 = arith.constant 0 : index
    %get3A_34 = vector.load %arg7[%get3A_32, %get3A_33] : memref<128x296xf32, #tpu.memory_space<vmem>>, vector<128x296xf32>
    %dot_general3A_35 = arith.constant dense<0.000000e+00> : vector<256x296xf32>
    %dot_general3A_36 = tpu.matmul %get3A_10, %get3A_34, %dot_general3A_35 {dimension_numbers = #tpu.dot_dimension_numbers<[1], [0], [0], [1], [0, 0, 1, 1], [], []>, transpose_lhs_hint = false} : vector<256x128xf32>, vector<128x296xf32>, vector<256x296xf32> -> vector<256x296xf32>
    %get3A_37 = arith.constant 0 : index
    %get3A_38 = arith.constant 0 : index
    %get3A_39 = vector.load %arg8[%get3A_37, %get3A_38] : memref<1x296xf32, #tpu.memory_space<vmem>>, vector<1x296xf32>
    %add3A_40 = vector.broadcast %get3A_39 : vector<1x296xf32> to vector<256x296xf32>
    %add3A_41 = arith.addf %dot_general3A_36, %add3A_40 : vector<256x296xf32>
    %slice3A_42 = vector.extract_strided_slice %add3A_41 {offsets = [0, 0], sizes = [256, 128], strides = [1, 1]} : vector<256x296xf32> to vector<256x128xf32>
    %slice3A_43 = vector.extract_strided_slice %add3A_41 {offsets = [0, 128], sizes = [256, 128], strides = [1, 1]} : vector<256x296xf32> to vector<256x128xf32>
    %slice3A_44 = vector.extract_strided_slice %add3A_41 {offsets = [0, 256], sizes = [256, 16], strides = [1, 1]} : vector<256x296xf32> to vector<256x16xf32>
    %slice3A_45 = vector.extract_strided_slice %add3A_41 {offsets = [0, 272], sizes = [256, 16], strides = [1, 1]} : vector<256x296xf32> to vector<256x16xf32>
    %slice3A_46 = vector.extract_strided_slice %add3A_41 {offsets = [0, 288], sizes = [256, 8], strides = [1, 1]} : vector<256x296xf32> to vector<256x8xf32>
    %reduce_sum3A = arith.constant dense<0.000000e+00> : vector<256xf32>
    %reduce_sum3A_47 = vector.multi_reduction <add>, %add3A_28, %reduce_sum3A [1] : vector<256x128xf32> to vector<256xf32>
    %broadcast_in_dim3A = vector.shape_cast %reduce_sum3A_47 : vector<256xf32> to vector<256x1xf32>
    %div3A_48 = arith.constant 1.280000e+02 : f32
    %div3A_49 = vector.broadcast %div3A_48 : f32 to vector<256x1xf32>
    %div3A_50 = arith.divf %broadcast_in_dim3A, %div3A_49 : vector<256x1xf32>
    %sub3A = vector.broadcast %div3A_50 : vector<256x1xf32> to vector<256x128xf32>
    %sub3A_51 = arith.subf %add3A_28, %sub3A : vector<256x128xf32>
    %mul3A_52 = arith.mulf %sub3A_51, %sub3A_51 : vector<256x128xf32>
    %reduce_sum3A_53 = arith.constant dense<0.000000e+00> : vector<256xf32>
    %reduce_sum3A_54 = vector.multi_reduction <add>, %mul3A_52, %reduce_sum3A_53 [1] : vector<256x128xf32> to vector<256xf32>
    %broadcast_in_dim3A_55 = vector.shape_cast %reduce_sum3A_54 : vector<256xf32> to vector<256x1xf32>
    %div3A_56 = arith.constant 1.280000e+02 : f32
    %div3A_57 = vector.broadcast %div3A_56 : f32 to vector<256x1xf32>
    %div3A_58 = arith.divf %broadcast_in_dim3A_55, %div3A_57 : vector<256x1xf32>
    %add3A_59 = arith.constant 9.99999974E-6 : f32
    %add3A_60 = vector.broadcast %add3A_59 : f32 to vector<256x1xf32>
    %add3A_61 = arith.addf %div3A_58, %add3A_60 : vector<256x1xf32>
    %rsqrt3A = math.rsqrt %add3A_61 : vector<256x1xf32>
    %mul3A_62 = vector.broadcast %rsqrt3A : vector<256x1xf32> to vector<256x128xf32>
    %mul3A_63 = arith.mulf %sub3A_51, %mul3A_62 : vector<256x128xf32>
    %add3A_64 = arith.constant 1.000000e+00 : f32
    %add3A_65 = vector.broadcast %add3A_64 : f32 to vector<256x128xf32>
    %add3A_66 = arith.addf %add3A_65, %slice3A_42 : vector<256x128xf32>
    %mul3A_67 = arith.mulf %mul3A_63, %add3A_66 : vector<256x128xf32>
    %add3A_68 = arith.addf %mul3A_67, %slice3A_43 : vector<256x128xf32>
    %slice3A_69 = vector.extract_strided_slice %add3A_31 {offsets = [0, 0], sizes = [256, 48], strides = [1, 1]} : vector<256x136xf32> to vector<256x48xf32>
    %slice3A_70 = vector.extract_strided_slice %add3A_31 {offsets = [0, 48], sizes = [256, 48], strides = [1, 1]} : vector<256x136xf32> to vector<256x48xf32>
    %slice3A_71 = vector.extract_strided_slice %add3A_31 {offsets = [0, 96], sizes = [256, 40], strides = [1, 1]} : vector<256x136xf32> to vector<256x40xf32>
    %mul3A_72 = arith.mulf %slice3A_69, %slice3A_69 : vector<256x48xf32>
    %reduce_sum3A_73 = arith.constant dense<0.000000e+00> : vector<256xf32>
    %reduce_sum3A_74 = vector.multi_reduction <add>, %mul3A_72, %reduce_sum3A_73 [1] : vector<256x48xf32> to vector<256xf32>
    %broadcast_in_dim3A_75 = vector.shape_cast %reduce_sum3A_74 : vector<256xf32> to vector<256x1xf32>
    %div3A_76 = arith.constant 1.600000e+01 : f32
    %div3A_77 = vector.broadcast %div3A_76 : f32 to vector<256x1xf32>
    %div3A_78 = arith.divf %broadcast_in_dim3A_75, %div3A_77 : vector<256x1xf32>
    %add3A_79 = arith.constant 9.99999974E-6 : f32
    %add3A_80 = vector.broadcast %add3A_79 : f32 to vector<256x1xf32>
    %add3A_81 = arith.addf %div3A_78, %add3A_80 : vector<256x1xf32>
    %sqrt3A = math.sqrt %add3A_81 : vector<256x1xf32>
    %mul3A_82 = arith.mulf %slice3A_70, %slice3A_70 : vector<256x48xf32>
    %reduce_sum3A_83 = arith.constant dense<0.000000e+00> : vector<256xf32>
    %reduce_sum3A_84 = vector.multi_reduction <add>, %mul3A_82, %reduce_sum3A_83 [1] : vector<256x48xf32> to vector<256xf32>
    %broadcast_in_dim3A_85 = vector.shape_cast %reduce_sum3A_84 : vector<256xf32> to vector<256x1xf32>
    %div3A_86 = arith.constant 1.600000e+01 : f32
    %div3A_87 = vector.broadcast %div3A_86 : f32 to vector<256x1xf32>
    %div3A_88 = arith.divf %broadcast_in_dim3A_85, %div3A_87 : vector<256x1xf32>
    %add3A_89 = arith.constant 9.99999974E-6 : f32
    %add3A_90 = vector.broadcast %add3A_89 : f32 to vector<256x1xf32>
    %add3A_91 = arith.addf %div3A_88, %add3A_90 : vector<256x1xf32>
    %sqrt3A_92 = math.sqrt %add3A_91 : vector<256x1xf32>
    %mul3A_93 = arith.mulf %slice3A_71, %slice3A_71 : vector<256x40xf32>
    %reduce_sum3A_94 = arith.constant dense<0.000000e+00> : vector<256xf32>
    %reduce_sum3A_95 = vector.multi_reduction <add>, %mul3A_93, %reduce_sum3A_94 [1] : vector<256x40xf32> to vector<256xf32>
    %broadcast_in_dim3A_96 = vector.shape_cast %reduce_sum3A_95 : vector<256xf32> to vector<256x1xf32>
    %div3A_97 = arith.constant 8.000000e+00 : f32
    %div3A_98 = vector.broadcast %div3A_97 : f32 to vector<256x1xf32>
    %div3A_99 = arith.divf %broadcast_in_dim3A_96, %div3A_98 : vector<256x1xf32>
    %add3A_100 = arith.constant 9.99999974E-6 : f32
    %add3A_101 = vector.broadcast %add3A_100 : f32 to vector<256x1xf32>
    %add3A_102 = arith.addf %div3A_99, %add3A_101 : vector<256x1xf32>
    %sqrt3A_103 = math.sqrt %add3A_102 : vector<256x1xf32>
    %add3A_104 = arith.constant 1.000000e+00 : f32
    %add3A_105 = vector.broadcast %add3A_104 : f32 to vector<256x16xf32>
    %add3A_106 = arith.addf %add3A_105, %slice3A_44 : vector<256x16xf32>
    %concatenate3A = tpu.concatenate %add3A_106, %add3A_106, %add3A_106 in 1 : vector<256x16xf32>, vector<256x16xf32>, vector<256x16xf32> -> vector<256x48xf32>
    %add3A_107 = arith.constant 1.000000e+00 : f32
    %add3A_108 = vector.broadcast %add3A_107 : f32 to vector<256x16xf32>
    %add3A_109 = arith.addf %add3A_108, %slice3A_45 : vector<256x16xf32>
    %concatenate3A_110 = tpu.concatenate %add3A_109, %add3A_109, %add3A_109 in 1 : vector<256x16xf32>, vector<256x16xf32>, vector<256x16xf32> -> vector<256x48xf32>
    %add3A_111 = arith.constant 1.000000e+00 : f32
    %add3A_112 = vector.broadcast %add3A_111 : f32 to vector<256x8xf32>
    %add3A_113 = arith.addf %add3A_112, %slice3A_46 : vector<256x8xf32>
    %concatenate3A_114 = tpu.concatenate %add3A_113, %add3A_113, %add3A_113, %add3A_113, %add3A_113 in 1 : vector<256x8xf32>, vector<256x8xf32>, vector<256x8xf32>, vector<256x8xf32>, vector<256x8xf32> -> vector<256x40xf32>
    %swap3A = arith.constant 0 : index
    %swap3A_115 = arith.constant 0 : index
    %swap3A_116 = vector.load %arg9[%swap3A, %swap3A_115] : memref<256x264xf32, #tpu.memory_space<vmem>>, vector<256x128xf32>
    tpu.vector_store %arg9[%swap3A, %swap3A_115], %add3A_68 {strides = array<i32>} : memref<256x264xf32, #tpu.memory_space<vmem>>, vector<256x128xf32>,
    %div3A_117 = vector.broadcast %sqrt3A : vector<256x1xf32> to vector<256x48xf32>
    %div3A_118 = arith.divf %slice3A_69, %div3A_117 : vector<256x48xf32>
    %mul3A_119 = arith.mulf %div3A_118, %concatenate3A : vector<256x48xf32>
    %swap3A_120 = arith.constant 0 : index
    %swap3A_121 = arith.constant 128 : index
    %swap3A_122 = vector.load %arg9[%swap3A_120, %swap3A_121] : memref<256x264xf32, #tpu.memory_space<vmem>>, vector<256x48xf32>
    tpu.vector_store %arg9[%swap3A_120, %swap3A_121], %mul3A_119 {strides = array<i32>} : memref<256x264xf32, #tpu.memory_space<vmem>>, vector<256x48xf32>,
    %div3A_123 = vector.broadcast %sqrt3A_92 : vector<256x1xf32> to vector<256x48xf32>
    %div3A_124 = arith.divf %slice3A_70, %div3A_123 : vector<256x48xf32>
    %mul3A_125 = arith.mulf %div3A_124, %concatenate3A_110 : vector<256x48xf32>
    %swap3A_126 = arith.constant 0 : index
    %swap3A_127 = arith.constant 176 : index
    %swap3A_128 = vector.load %arg9[%swap3A_126, %swap3A_127] : memref<256x264xf32, #tpu.memory_space<vmem>>, vector<256x48xf32>
    tpu.vector_store %arg9[%swap3A_126, %swap3A_127], %mul3A_125 {strides = array<i32>} : memref<256x264xf32, #tpu.memory_space<vmem>>, vector<256x48xf32>,
    %div3A_129 = vector.broadcast %sqrt3A_103 : vector<256x1xf32> to vector<256x40xf32>
    %div3A_130 = arith.divf %slice3A_71, %div3A_129 : vector<256x40xf32>
    %mul3A_131 = arith.mulf %div3A_130, %concatenate3A_114 : vector<256x40xf32>
    %swap3A_132 = arith.constant 0 : index
    %swap3A_133 = arith.constant 224 : index
    %swap3A_134 = vector.load %arg9[%swap3A_132, %swap3A_133] : memref<256x264xf32, #tpu.memory_space<vmem>>, vector<256x40xf32>
    tpu.vector_store %arg9[%swap3A_132, %swap3A_133], %mul3A_131 {strides = array<i32>} : memref<256x264xf32, #tpu.memory_space<vmem>>, vector<256x40xf32>,
    return
  }
  func.func @transform_0(%arg0: i32) -> (i32, i32) {
    %c0_i32 = arith.constant 0 : i32
    %c0_i32_0 = arith.constant 0 : i32
    return %arg0, %c0_i32 : i32, i32
  }
  func.func @transform_1(%arg0: i32) -> (i32, i32) {
    %c0_i32 = arith.constant 0 : i32
    %c0_i32_0 = arith.constant 0 : i32
    return %arg0, %c0_i32 : i32, i32
  }
  func.func @transform_2(%arg0: i32) -> (i32, i32) {
    %c0_i32 = arith.constant 0 : i32
    %c0_i32_0 = arith.constant 0 : i32
    return %arg0, %c0_i32 : i32, i32
  }
  func.func @transform_3(%arg0: i32) -> (i32, i32) {
    %c0_i32 = arith.constant 0 : i32
    %c0_i32_0 = arith.constant 0 : i32
    return %arg0, %c0_i32 : i32, i32
  }
  func.func @transform_4(%arg0: i32) -> (i32, i32) {
    %c0_i32 = arith.constant 0 : i32
    %c0_i32_0 = arith.constant 0 : i32
    %c0_i32_1 = arith.constant 0 : i32
    return %c0_i32, %c0_i32_0 : i32, i32
  }
  func.func @transform_5(%arg0: i32) -> (i32, i32) {
    %c0_i32 = arith.constant 0 : i32
    %c0_i32_0 = arith.constant 0 : i32
    %c0_i32_1 = arith.constant 0 : i32
    return %c0_i32, %c0_i32_0 : i32, i32
  }
  func.func @transform_6(%arg0: i32) -> (i32, i32) {
    %c0_i32 = arith.constant 0 : i32
    %c0_i32_0 = arith.constant 0 : i32
    %c0_i32_1 = arith.constant 0 : i32
    return %c0_i32, %c0_i32_0 : i32, i32
  }
  func.func @transform_7(%arg0: i32) -> (i32, i32) {
    %c0_i32 = arith.constant 0 : i32
    %c0_i32_0 = arith.constant 0 : i32
    %c0_i32_1 = arith.constant 0 : i32
    return %c0_i32, %c0_i32_0 : i32, i32
  }
  func.func @transform_8(%arg0: i32) -> (i32, i32) {
    %c0_i32 = arith.constant 0 : i32
    %c0_i32_0 = arith.constant 0 : i32
    return %arg0, %c0_i32 : i32, i32
  }
}

</mosaic_0001>

<sc_bundles>
// kernel: kernel.10.cloned.1.call-start
scs
__scs_entry_jumppad:
0x0: {  	(pc) =	sbr.rel $0x88, $3  }
0x1: {  	(tag) =	ssettag $0x0;
	lr =	simm.s32 $0x1  }
0x2: {  	[smem:$0x3F83] =	sst lr;
	_ =	strace $0xD0000000  }
0x3: {  	_ = 	snop  }
0x4: {  	_ = 	snop  }
0x5: {  	_ = 	snop  }
0x6: {  	_ = 	snop  }
0x7: {  	_ = 	snop  }
__scs_overlays_trampoline_lowered:
0x8: {  	[smem:$0x3F92] =	sst s0  }
0x9: {  	[smem:$0x3F93] =	sst s1  }
0xa: {  	[smem:$0x3F94] =	sst s2  }
0xb: {  	[smem:$0x3F95] =	sst s3  }
0xc: {  	[smem:$0x3F96] =	sst s4  }
0xd: {  	[smem:$0x3F97] =	sst s5  }
0xe: {  	[smem:$0x3F98] =	sst s6  }
0xf: {  	[smem:$0x3F99] =	sst s7  }
0x10: {  	[smem:$0x3F9A] =	sst s8  }
0x11: {  	[smem:$0x3F9B] =	sst s9;
	s0 =	simm.s32 @!p0 $0x0  }
0x12: {  	s1 =	sld [smem:$0x3F81];
	s0 =	simm.s32 @p0 $0x1  }
0x13: {  	[smem:$0x3F9C] =	sst s0;
	s0 =	simm.s32 @!p1 $0x0  }
0x14: {  	s2 =	sld [smem:$0x3F80];
	s0 =	simm.s32 @p1 $0x1  }
0x15: {  	[smem:$0x3F9D] =	sst s0;
	s0 =	simm.s32 @!p2 $0x0  }
0x16: {  	s3 =	sld [smem:$0x3FDB];
	s0 =	simm.s32 @p2 $0x1  }
0x17: {  	s4 =	simm.s32 $0x1BF5;
	[smem:$0x3F9F] =	sst s0  }
0x18: {  	s0 =	sld [smem:$0x3F82];
	_ =	swait.ge [sflag:s4], $0x0  }
0x19: {  	s7 =	sld [smem:$0x3F83]  }
0x1a: {  	s8 =	sadd.s32 $0xFFFFE003, lr  }
0x1b: {  	s9 =	sadd.s32 $0xFFFFFEF7, lr;
	s5 =	simm.s32 $0xFFFFFFFF;
	p2 =	slt.u32 s8, $0xFFFFF086  }
0x1c: {  	p1 =	slt.u32 s9, $0xF7A;
	s5 =	simm.s32 @!p2 $0x0  }
0x1d: {  	s5 =	simm.s32 @p1 $0x1;
	p0 =	seq.s32 s7, s2  }
0x1e: {  	s7 =	smul.u32 @!p0 $0xF7A, s2;
	p2 =	seq.s32 @!p0 s5, $0x0  }
0x1f: {  	s9 =	smul.u32 $0xF7A, s1;
	s8 =	simm.s32 @!p0 $0x1BF5;
	p2 =	por !p2, p0  }
0x20: {  	[sflag:s8] =	ssyncset.s32 @!p0 $0xFFFFF086;
	s6 =	sadd.s32 @!p0 s3, s7;
	s7 =	simm.s32 @!p0 $0x108  }
0x21: {  	s3 =	sadd.s32 s3, s9;
	s6 =	sadd.s32 @!p0 $0x88, s6;
	s7 =	simm.s32 @p2 $0x1082  }
0x22: {  	[simem:s7], [sflag:s8] =	dma.local @!p0 [hbm:s6], $0xF7A  }
0x23: {  	s9 =	sor.u32 $0xD0000000, s2;
	s6 =	simm.s32 $0x108;
	_ =	swait.ge @!p0 [sflag:s8], $0x0  }
0x24: {  	s3 =	sadd.s32 $0x88, s3;
	s6 =	simm.s32 @!p1 $0x1082;
	[sflag:s4] =	ssyncset.s32 $0xFFFFF086  }
0x25: {  	[simem:s6], [sflag:s4] =	dma.local [hbm:s3], $0xF7A  }
0x26: {  	[smem:$0x3F83] =	sst s1;
	(tag) =	ssettag s2;
	_ =	strace s9  }
0x27: {  	s1 =	sld [smem:$0x3F93]  }
0x28: {  	s2 =	sld [smem:$0x3F94]  }
0x29: {  	s4 =	sld [smem:$0x3F96]  }
0x2a: {  	p0 =	seq.s32 s5, $0x0;
	s5 =	sld [smem:$0x3F97]  }
0x2b: {  	s6 =	sld [smem:$0x3F98]  }
0x2c: {  	s7 =	sld [smem:$0x3F99]  }
0x2d: {  	s3 =	simm.s32 $0x108;
	s8 =	sld [smem:$0x3F9A]  }
0x2e: {  	s3 =	simm.s32 @!p0 $0x1082;
	s9 =	sld [smem:$0x3F9B]  }
0x2f: {  	lr =	sadd.s32 s0, s3;
	s0 =	sld [smem:$0x3F92]  }
0x30: {  	s3 =	sld [smem:$0x3F95]  }
0x31: {  	[smem:$0x3F9E] =	sst s10  }
0x32: {  	s10 =	sld [smem:$0x3F9C];
	_ =	sdelay $0x3  }
0x33: {  	p0 =	seq.s32 s10, $0x1;
	s10 =	sld [smem:$0x3F9E];
	_ =	sdelay $0x3  }
0x34: {  	[smem:$0x3F9E] =	sst s10  }
0x35: {  	s10 =	sld [smem:$0x3F9D];
	_ =	sdelay $0x3  }
0x36: {  	p1 =	seq.s32 s10, $0x1;
	s10 =	sld [smem:$0x3F9E];
	_ =	sdelay $0x3  }
0x37: {  	[smem:$0x3F9E] =	sst s10  }
0x38: {  	s10 =	sld [smem:$0x3F9F]  }
0x39: {  	_ = 	snop;
	(pc) =	sbr.ind lr, $3  }
0x3a: {  	_ = 	snop  }
0x3b: {  	_ = 	snop  }
0x3c: {  	p2 =	seq.s32 s10, $0x1;
	s10 =	sld [smem:$0x3F9E]  }
0x3d: {  	_ =	shalt  }
0x3e: {  	_ =	shalt  }
0x3f: {  	_ =	shalt  }
0x40: {  	_ =	shalt  }
0x41: {  	_ =	shalt  }
0x42: {  	_ =	shalt  }
0x43: {  	_ =	shalt  }
0x44: {  	_ =	shalt  }
0x45: {  	_ =	shalt  }
0x46: {  	_ =	shalt  }
0x47: {  	_ =	shalt  }
0x48: {  	_ =	shalt  }
0x49: {  	_ =	shalt  }
0x4a: {  	_ =	shalt  }
0x4b: {  	_ =	shalt  }
0x4c: {  	_ =	shalt  }
0x4d: {  	_ =	shalt  }
0x4e: {  	_ =	shalt  }
0x4f: {  	_ =	shalt  }
0x50: {  	_ =	shalt  }
0x51: {  	_ =	shalt  }
0x52: {  	_ =	shalt  }
0x53: {  	_ =	shalt  }
0x54: {  	_ =	shalt  }
0x55: {  	_ =	shalt  }
0x56: {  	_ =	shalt  }
0x57: {  	_ =	shalt  }
0x58: {  	_ =	shalt  }
0x59: {  	_ =	shalt  }
0x5a: {  	_ =	shalt  }
0x5b: {  	_ =	shalt  }
0x5c: {  	_ =	shalt  }
0x5d: {  	_ =	shalt  }
0x5e: {  	_ =	shalt  }
0x5f: {  	_ =	shalt  }
0x60: {  	_ =	shalt  }
0x61: {  	_ =	shalt  }
0x62: {  	_ =	shalt  }
0x63: {  	_ =	shalt  }
0x64: {  	_ =	shalt  }
0x65: {  	_ =	shalt  }
0x66: {  	_ =	shalt  }
0x67: {  	_ =	shalt  }
0x68: {  	_ =	shalt  }
0x69: {  	_ =	shalt  }
0x6a: {  	_ =	shalt  }
0x6b: {  	_ =	shalt  }
0x6c: {  	_ =	shalt  }
0x6d: {  	_ =	shalt  }
0x6e: {  	_ =	shalt  }
0x6f: {  	_ =	shalt  }
0x70: {  	_ =	shalt  }
0x71: {  	_ =	shalt  }
0x72: {  	_ =	shalt  }
0x73: {  	_ =	shalt  }
0x74: {  	_ =	shalt  }
0x75: {  	_ =	shalt  }
0x76: {  	_ =	shalt  }
0x77: {  	_ =	shalt  }
0x78: {  	_ =	shalt  }
0x79: {  	_ =	shalt  }
0x7a: {  	_ =	shalt  }
0x7b: {  	_ =	shalt  }
0x7c: {  	_ =	shalt  }
0x7d: {  	_ =	shalt  }
0x7e: {  	_ =	shalt  }
0x7f: {  	_ =	shalt  }
0x80: {  	_ =	shalt  }
0x81: {  	_ =	shalt  }
0x82: {  	_ =	shalt  }
0x83: {  	_ =	shalt  }
0x84: {  	_ =	shalt  }
0x85: {  	_ =	shalt  }
0x86: {  	_ =	shalt  }
0x87: {  	_ =	shalt  }
.Lfunc_end0:
.L_simem_size_0:
called_computation.1_lowered:
.L_overlay_start_0:
0x88: {  	s2 =	sld [smem:$0x3FD9]  }
0x89: {  	s3 =	sld [smem:$0x3FFE];
	_ =	sdelay $0x1  }
0x8a: {  	s1 =	srdreg.scid  }
0x8b: {  	s0 =	sand.u32 $0x1, s1  }
0x8c: {  	s17 =	sshll.u32 s0, $0xA;
	s2 =	sadd.s32 s3, s2  }
0x8d: {  	s2 =	sadd.s32 s2, s17  }
0x8e: {  	[smem:$0x3FAA] =	sst s2  }
0x8f: {  	_ = 	snop  }
0x90: {  	s2 =	sld [smem:$0x3FD0];
	(tm) =	ssettm $0x1  }
0x91: {  	s18 =	sld [smem:$0x3FFB];
	_ =	sdelay $0x3  }
0x92: {  	_ =	strace s18  }
0x93: {  	s3 =	sld [smem:$0x3FFC];
	_ =	sdelay $0x3  }
0x94: {  	_ =	strace s3  }
0x95: {  	s3 =	sld [smem:$0x3FFD];
	_ =	sdelay $0x3  }
0x96: {  	_ =	strace s3  }
0x97: {  	_ =	strace $0x8FFFFFFF  }
0x98: {  	s19 =	sld [smem:$0x3FDB];
	_ =	sdelay $0x1  }
0x99: {  	s4 =	simm.s32 $_scs_section_size  }
0x9a: {  	s5 =	simm.s32 $_size__tile_overlayer_lowered;
	s6 =	simm.s32 $_tile_overlayer_lowered  }
0x9b: {  	s22 =	simm.s32 $0x1BFF;
	s21 =	sshll.u32 s6, $0x1;
	s3 =	sadd.s32 s4, s19  }
0x9c: {  	s7 =	simm.s32 $0x0;
	s20 =	sshll.u32 s5, $0x1;
	s5 =	sadd.s32 s21, s3  }
0x9d: {  	[timem:s7], [sflag:s22] =	dma.local [hbm:s5], s20  }
0x9e: {  	_ =	swait.ge [sflag:s22], s20  }
0x9f: {  	s4 =	ssub.s32 $0x0, s20;
	[sflag:s22] =	ssyncset.done $0x0  }
0xa0: {  	[sflag:s22] =	ssyncadd.s32 s4;
	_ =	sdelay $0x1  }
0xa1: {  	s23 =	simm.s32 $0x1B8B  }
0xa2: {  	_ =	swait.ge [sflag:s23], $0x1  }
0xa3: {  	[sflag:s23] =	ssyncset.done $0x0  }
0xa4: {  	s25 =	simm.s32 $0x1B8E;
	s24 =	sld [smem:$0x3FFE];
	[sflag:s23] =	ssyncadd.s32 $0xFFFFFFFF  }
0xa5: {  	s26 =	simm.s32 $execute0_lowered;
	[smem:$0x3FD2] =	sst s25  }
0xa6: {  	s5 =	sshll.u32 s26, $0x1;
	_ =	strace $0x80000049;
	[dreg:$0x1] =	wrdreg $0xFFFFFFFF  }
0xa7: {  	s28 =	simm.s32 $_size_execute0_lowered;
	s3 =	sadd.s32 s3, s5;
	[dreg:$0x0] =	wrdreg $0x0  }
0xa8: {  	s5 =	sshll.u32 s28, $0x1;
	[dreg:$0x2] =	wrdreg s3  }
0xa9: {  	[dreg:$0x3] =	wrdreg s5  }
0xaa: {  	[dreg:$0x4] =	wrdreg $0xC0  }
0xab: {  	_ =	task [dreg:s7], $0x5FFFF  }
0xac: {  	[dreg:$0x1] =	wrdreg $0xFFFFFFFF  }
0xad: {  	[dreg:$0x0] =	wrdreg $0x60  }
0xae: {  	[dreg:$0x2] =	wrdreg s24  }
0xaf: {  	[dreg:$0x3] =	wrdreg s2  }
0xb0: {  	[dreg:$0x4] =	wrdreg $0x94000  }
0xb1: {  	[dreg:$0x5] =	wrdreg $0x9  }
0xb2: {  	_ =	task.clear_ibuf [dreg:s7], $0x6FFFF;
	_ =	strace $0x90000049  }
0xb3: {  	s29 =	simm.s32 $0x9;
	_ =	strace $0x8000004B  }
0xb4: {  	_ =	swait.ge [sflag:s29], $0x1  }
0xb5: {  	[sflag:s29] =	ssyncadd.s32 $0xFFFFFFFF  }
0xb6: {  	_ =	strace $0x9000004B  }
0xb7: {  	_ =	sfence  }
0xb8: {  	s30 =	sld [smem:$0x0];
	_ =	sdelay $0x2  }
0xb9: {  	s31 =	sshll.u32 s1, $0xD;
	s1 =	sshrl.u32 s1, $0x2  }
0xba: {  	s3 =	sand.u32 $0x4000, s31;
	s1 =	sadd.s32 s1, s30  }
0xbb: {  	s0 =	sor.u32 s3, s0;
	s1 =	sshll.u32 s1, $0x11  }
0xbc: {  	s0 =	sor.u32 s1, s0  }
0xbd: {  	s0 =	sadd.s32 $0x8F2B, s0  }
0xbe: {  	[sflag:s0] =	ssyncadd.remote.s32 $0x1  }
0xbf: {  	_ =	sfence.sel $0xFFFF  }
0xc0: {  	[dreg:$0x0] =	wrdreg $0xFFFFFFFF;
	(pc) =	sbr.abs _section_cstart, $3  }
0xc1: {  	[dreg:$0x1] =	wrdreg $0xFFFFFFFF  }
0xc2: {  	_ =	task.clear_ibuf [dreg:s7], $0x2FFFF;
	_ =	strace $0x9FFFFFFF  }
0xc3: {  	(tm) =	ssettm $0x7FFFFFFF  }
tec
execute0_lowered:
.L_overlay_start_1:
0x0: {  	(tag) =	ssettag $0x1  }
0x1: {  	s0 =	rddreg [dreg:$0x0]  }
0x2: {  	s3 =	rddreg [dreg:$0x2];
	s1 =	srdreg.scid  }
0x3: {  	s17 =	stileid.u32;
	s4 =	simm.s32 $0x0;
	s29 =	simm.s32 $0x3  }
0x4: {  	s30 =	simm.s32 $0x4C00;
	s31 =	simm.s32 $0x80;
	s5 =	smul.u32 $0x4800, s17  }
0x5: {  	s1 =	sand.u32 $0x1, s1;
	s6 =	sadd.s32 $0x687600, s0;
	s11 =	smul.u32 $0x2D000, s17  }
0x6: {  	s7 =	sadd.s32 $0x65A600, s0;
	s20 =	smul.u32 $0x2800, s17;
	[smem:$0x7FF] =	sst s4  }
0x7: {  	s21 =	smul.u32 $0x500, s17;
	s2 =	ssub.s32 $0x2, s1;
	p0 =	seq.s32 s1, $0x0  }
0x8: {  	s8 =	sshrl.u32 s2, $0x1;
	s9 =	sadd.s32 $0x48000, s5;
	s24 =	sshrl.u32 s5, $0x3  }
0x9: {  	s22 =	sadd.s32 $0xD8000, s5;
	s23 =	sadd.s32 $0x120000, s5;
	s2 =	ssub.s32 s2, s8  }
0xa: {  	s8 =	smul.u32 $0x5A240, s17;
	s10 =	sshrl.u32 s9, $0x3;
	s12 =	sadd.s32 s7, s24  }
0xb: {  	s14 =	sshrl.u32 s22, $0x3;
	s15 =	sshrl.u32 s23, $0x3;
	s1 =	sadd.s32 s6, s24  }
0xc: {  	s22 =	sadd.s32 s22, s3;
	s23 =	sadd.s32 s23, s3;
	[dreg:$0x4] =	wrdreg s12  }
0xd: {  	s25 =	sadd.s32 s7, s10;
	s12 =	sadd.s32 $0x90000, s5;
	[dreg:$0x9] =	wrdreg s1  }
0xe: {  	s26 =	sadd.s32 s7, s14;
	s1 =	simm.s32 $0x38A600;
	[dreg:$0x5] =	wrdreg s25  }
0xf: {  	s19 =	sadd.s32 s6, s14;
	s13 =	sshrl.u32 s12, $0x3;
	[dreg:$0x7] =	wrdreg s26  }
0x10: {  	[dreg:$0xc] =	wrdreg s19;
	s1 =	simm.s32 @!p0 $0xBA600;
	s24 =	sshrl.u32 s8, $0x2  }
0x11: {  	s25 =	sshll.u32 s17, $0x6;
	s19 =	sadd.s32 s5, s3;
	s5 =	simm.s32 $0x1  }
0x12: {  	s16 =	sadd.s32 s7, s13;
	s7 =	sadd.s32 s7, s15;
	s18 =	sadd.s32 s6, s13  }
0x13: {  	s1 =	sadd.s32 s1, s0;
	s0 =	sadd.s32 $0x83600, s0;
	[dreg:$0x6] =	wrdreg s16  }
0x14: {  	s26 =	sadd.s32 s24, s3;
	s17 =	sor.u32 $0x1C03, s25;
	[dreg:$0x8] =	wrdreg s7  }
0x15: {  	s16 =	sadd.s32 s6, s10;
	[dreg:$0xb] =	wrdreg s18;
	s6 =	sadd.s32 s6, s15  }
0x16: {  	s15 =	sadd.s32 s1, s11;
	s18 =	smax.u32 s2, $0x1;
	s25 =	sshrl.u32 s26, $0x3  }
0x17: {  	s2 =	simm.s32 $0x400;
	s1 =	simm.s32 $0x2;
	[dreg:$0xa] =	wrdreg s16  }
0x18: {  	[dreg:$0xd] =	wrdreg s6;
	s6 =	sshrl.u32 s20, $0x3;
	s20 =	sadd.s32 s9, s3  }
0x19: {  	s26 =	sadd.s32 $0x900, s15;
	s28 =	sadd.s32 $0x1B00, s15;
	s16 =	sadd.s32 s0, s6  }
0x1a: {  	s0 =	sadd.s32 s21, s0;
	_ =	strace $0x8000004A;
	s21 =	sadd.s32 s12, s3  }
0x1b: {  	s6 =	simm.s32 $0x0;
	s24 =	sadd.s32 $0x20, s0;
	s0 =	simm.s32 $0x4  }
.LBB2_1:
0x1c: {  	s7 =	rddreg [dreg:$0x1]  }
0x1d: {  	[spmem:s25], [sflag:s17] =	dma.local [hbm:s7], $0x2D12  }
0x1e: {  	_ =	swait.ge [sflag:s29], $0x2D12  }
0x1f: {  	[sflag:s29] =	ssyncset.done $0x0  }
0x20: {  	[sflag:s29] =	ssyncadd.s32 $0xFFFFD2EE  }
0x21: {  	[bflag:$0x0] =	sbarrier.arrive $0xFFFF  }
0x22: {  	[tilespmem:s4], [sflag:$0x3] =	stream.linear.gather [hbm4b:s16+s4], $0x400, $0x38;
	[tilespmem:$0x1FC90] =	vst v63  }
0x23: {  	_ =	swait.ge [sflag:s29], $0x400  }
0x24: {  	[sflag:s29] =	ssyncset.done $0x0  }
0x25: {  	[sflag:s29] =	ssyncadd.s32 $0xFFFFFC00  }
0x26: {  	[tilespmem:s2], [sflag:$0x1] =	stream.linear.gather [hbm4b:s15+s4], $0x4800, $0x38;
	[tilespmem:$0x1FC90] =	vst v63  }
0x27: {  	_ = 	snop  }
0x28: {  	[tilespmem:s30], [sflag:$0x2] =	stream.linear.gather [hbm4b:s26+s4], $0x4800, $0x38;
	[tilespmem:$0x1FC90] =	vst v63  }
0x29: {  	_ =	swait.ge [sflag:s5], $0x4800  }
0x2a: {  	[sflag:s5] =	ssyncset.done $0x0  }
0x2b: {  	[sflag:s5] =	ssyncadd.s32 $0xFFFFB800  }
0x2c: {  	[spmem:s3] =	stream.indirect.scatter.add.f32 [tilespmem:s2], [sflag:$0x4], $0x90, s4, s31, $0xb8;
	[tilespmem:$0x1FC90] =	vst v63  }
0x2d: {  	_ =	swait.ge [sflag:s0], $0x4800  }
0x2e: {  	[sflag:s0] =	ssyncset.done $0x0  }
0x2f: {  	s11 =	sadd.s32 $0xFFFFF700, s28;
	[sflag:s0] =	ssyncadd.s32 $0xFFFFB800  }
0x30: {  	[tilespmem:s2], [sflag:$0x1] =	stream.linear.gather [hbm4b:s11+s4], $0x4800, $0x38;
	[tilespmem:$0x1FC90] =	vst v63  }
0x31: {  	_ =	swait.ge [sflag:s1], $0x4800  }
0x32: {  	[sflag:s1] =	ssyncset.done $0x0  }
0x33: {  	s12 =	simm.s32 $0x80;
	[sflag:s1] =	ssyncadd.s32 $0xFFFFB800  }
0x34: {  	[spmem:s3] =	stream.indirect.scatter.add.f32 [tilespmem:s30], [sflag:$0x4], $0x90, s12, s31, $0xb8;
	[tilespmem:$0x1FC90] =	vst v63  }
0x35: {  	_ =	swait.ge [sflag:s0], $0x4800  }
0x36: {  	s13 =	sand.u32 $0x3, s5;
	[sflag:s0] =	ssyncset.done $0x0  }
0x37: {  	p1 =	sne.s32 s13, $0x0;
	[sflag:s0] =	ssyncadd.s32 $0xFFFFB800  }
0x38: {  	[tilespmem:s30], [sflag:$0x2] =	stream.linear.gather [hbm4b:s28+s4], $0x4800, $0x38;
	[tilespmem:$0x1FC90] =	vst v63  }
0x39: {  	s7 =	simm.s32 @!p1 $0x0;
	s8 =	simm.s32 @!p1 $0x3  }
0x3a: {  	[tilespmem:s7], [sflag:$0x3] =	stream.linear.gather @!p1 [hbm4b:s24+s7], $0x400, $0x38;
	[tilespmem:$0x1FC90] =	vst v63  }
0x3b: {  	_ =	swait.ge @!p1 [sflag:s8], $0x400  }
0x3c: {  	[sflag:s8] =	ssyncset.done @!p1 $0x0  }
0x3d: {  	[sflag:s8] =	ssyncadd.s32 @!p1 $0xFFFFFC00  }
0x3e: {  	s14 =	simm.s32 $0x100;
	_ =	swait.ge [sflag:s5], $0x4800  }
0x3f: {  	s9 =	simm.s32 $0x2;
	s10 =	sadd.s32 $0x1200, s28;
	[sflag:s5] =	ssyncset.done $0x0  }
0x40: {  	s11 =	simm.s32 $0x3;
	s12 =	sand.u32 $0x300, s14;
	[sflag:s5] =	ssyncadd.s32 $0xFFFFB800  }
0x41: {  	[spmem:s3] =	stream.indirect.scatter.add.f32 [tilespmem:s2], [sflag:$0x4], $0x90, s12, s31, $0xb8;
	[tilespmem:$0x1FC90] =	vst v63  }
0x42: {  	s7 =	simm.s32 $0x800;
	s8 =	sadd.s32 $0x20, s24;
	_ =	swait.ge [sflag:s0], $0x4800  }
.LBB2_2:
0x43: {  	s13 =	sadd.s32 $0xFFFFF700, s10  }
0x44: {  	[sflag:s0] =	ssyncset.done $0x0;
	s14 =	smov.u32 s11;
	s11 =	sadd.s32 $0x1, s11  }
0x45: {  	p1 =	sne.s32 s11, $0x28;
	[sflag:s0] =	ssyncadd.s32 $0xFFFFB800  }
0x46: {  	[tilespmem:s2], [sflag:$0x1] =	stream.linear.gather [hbm4b:s13+s4], $0x4800, $0x38;
	[tilespmem:$0x1FC90] =	vst v63  }
0x47: {  	_ =	swait.ge [sflag:s1], $0x4800  }
0x48: {  	s12 =	sadd.s32 $0x80, s12;
	[sflag:s1] =	ssyncset.done $0x0  }
0x49: {  	[sflag:s1] =	ssyncadd.s32 $0xFFFFB800  }
0x4a: {  	[spmem:s3] =	stream.indirect.scatter.add.f32 [tilespmem:s30], [sflag:$0x4], $0x90, s12, s31, $0xb8;
	[tilespmem:$0x1FC90] =	vst v63  }
0x4b: {  	_ =	swait.ge [sflag:s0], $0x4800  }
0x4c: {  	s12 =	sand.u32 $0x3, s9;
	s9 =	smov.u32 s14;
	[sflag:s0] =	ssyncset.done $0x0  }
0x4d: {  	p2 =	sne.s32 s12, $0x0;
	[sflag:s0] =	ssyncadd.s32 $0xFFFFB800  }
0x4e: {  	[tilespmem:s30], [sflag:$0x2] =	stream.linear.gather [hbm4b:s10+s4], $0x4800, $0x38;
	[tilespmem:$0x1FC90] =	vst v63  }
0x4f: {  	s12 =	simm.s32 @!p2 $0x0;
	s13 =	simm.s32 @!p2 $0x3  }
0x50: {  	[tilespmem:s12], [sflag:$0x3] =	stream.linear.gather @!p2 [hbm4b:s8+s12], $0x400, $0x38;
	[tilespmem:$0x1FC90] =	vst v63  }
0x51: {  	_ =	swait.ge @!p2 [sflag:s13], $0x400  }
0x52: {  	[sflag:s13] =	ssyncset.done @!p2 $0x0  }
0x53: {  	[sflag:s13] =	ssyncadd.s32 @!p2 $0xFFFFFC00  }
.Ltmp0:
0x54: {  	s12 =	sshrl.u32 s7, $0x2;
	_ =	swait.ge [sflag:s5], $0x4800;
	(pc) =	sbr.rel @p1 .LBB2_2-.Ltmp0, $4  }
0x55: {  	s12 =	sand.u32 $0x300, s12;
	[sflag:s5] =	ssyncset.done $0x0  }
0x56: {  	s8 =	sadd.s32 $0x20, s8;
	[sflag:s5] =	ssyncadd.s32 $0xFFFFB800  }
0x57: {  	[spmem:s3] =	stream.indirect.scatter.add.f32 [tilespmem:s2], [sflag:$0x4], $0x90, s12, s31, $0xb8;
	[tilespmem:$0x1FC90] =	vst v63  }
0x58: {  	s10 =	sadd.s32 $0x1200, s10;
	s7 =	sadd.s32 $0x400, s7;
	_ =	swait.ge [sflag:s0], $0x4800  }
0x59: {  	[sflag:s0] =	ssyncset.done $0x0  }
0x5a: {  	s11 =	sadd.s32 $0xFFFFF700, s10;
	[sflag:s0] =	ssyncadd.s32 $0xFFFFB800  }
0x5b: {  	[tilespmem:s2], [sflag:$0x1] =	stream.linear.gather [hbm4b:s11+s4], $0x4800, $0x38;
	[tilespmem:$0x1FC90] =	vst v63  }
0x5c: {  	_ =	swait.ge [sflag:s1], $0x4800  }
0x5d: {  	[sflag:s1] =	ssyncset.done $0x0  }
0x5e: {  	s14 =	sadd.s32 $0x80, s12;
	[sflag:s1] =	ssyncadd.s32 $0xFFFFB800  }
0x5f: {  	[spmem:s3] =	stream.indirect.scatter.add.f32 [tilespmem:s30], [sflag:$0x4], $0x90, s14, s31, $0xb8;
	[tilespmem:$0x1FC90] =	vst v63  }
0x60: {  	_ =	swait.ge [sflag:s0], $0x4800  }
0x61: {  	s9 =	sand.u32 $0x3, s9;
	[sflag:s0] =	ssyncset.done $0x0  }
0x62: {  	p1 =	sne.s32 s9, $0x0;
	[sflag:s0] =	ssyncadd.s32 $0xFFFFB800  }
0x63: {  	[tilespmem:s30], [sflag:$0x2] =	stream.linear.gather [hbm4b:s10+s4], $0x4800, $0x38;
	[tilespmem:$0x1FC90] =	vst v63  }
0x64: {  	s9 =	simm.s32 @!p1 $0x0  }
0x65: {  	[tilespmem:s9], [sflag:$0x3] =	stream.linear.gather @!p1 [hbm4b:s8+s9], $0x400, $0x38;
	[tilespmem:$0x1FC90] =	vst v63  }
0x66: {  	s8 =	simm.s32 @!p1 $0x3  }
0x67: {  	_ =	swait.ge @!p1 [sflag:s8], $0x400  }
0x68: {  	[sflag:s8] =	ssyncset.done @!p1 $0x0  }
0x69: {  	[sflag:s8] =	ssyncadd.s32 @!p1 $0xFFFFFC00  }
0x6a: {  	_ =	swait.ge [sflag:s5], $0x4800  }
0x6b: {  	s7 =	sshrl.u32 s7, $0x2;
	[sflag:s5] =	ssyncset.done $0x0  }
0x6c: {  	s7 =	sand.u32 $0x300, s7;
	[sflag:s5] =	ssyncadd.s32 $0xFFFFB800  }
0x6d: {  	[spmem:s3] =	stream.indirect.scatter.add.f32 [tilespmem:s2], [sflag:$0x4], $0x90, s7, s31, $0xb8;
	[tilespmem:$0x1FC90] =	vst v63  }
0x6e: {  	_ =	swait.ge [sflag:s0], $0x4800  }
0x6f: {  	[sflag:s0] =	ssyncset.done $0x0  }
0x70: {  	[sflag:s0] =	ssyncadd.s32 $0xFFFFB800  }
0x71: {  	_ =	swait.ge [sflag:s1], $0x4800  }
0x72: {  	[sflag:s1] =	ssyncset.done $0x0  }
0x73: {  	s7 =	sadd.s32 $0x80, s7;
	[sflag:s1] =	ssyncadd.s32 $0xFFFFB800  }
0x74: {  	[spmem:s3] =	stream.indirect.scatter.add.f32 [tilespmem:s30], [sflag:$0x4], $0x90, s7, s31, $0xb8;
	[tilespmem:$0x1FC90] =	vst v63  }
0x75: {  	_ =	swait.ge [sflag:s0], $0x4800  }
0x76: {  	[sflag:s0] =	ssyncset.done $0x0  }
0x77: {  	s7 =	stileid.u32;
	[sflag:s0] =	ssyncadd.s32 $0xFFFFB800  }
0x78: {  	s7 =	sshll.u32 @p0 s7, $0x6;
	[bflag:$0x0] =	sbarrier.arrive $0xFFFF  }
0x79: {  	s8 =	sshrl.u32 @p0 s19, $0x3;
	s7 =	sor.u32 @p0 $0x1C04, s7;
	s9 =	rddreg [dreg:$0x9]  }
0x7a: {  	[hbm:s9], [sflag:s7] =	dma.local @p0 [spmem:s8], $0x900  }
0x7b: {  	s8 =	simm.s32 @p0 $0x4  }
0x7c: {  	_ =	swait.ge @p0 [sflag:s8], $0x900  }
0x7d: {  	[sflag:s8] =	ssyncset.done @p0 $0x0  }
0x7e: {  	s9 =	sshrl.u32 @p0 s20, $0x3;
	s10 =	rddreg [dreg:$0xa];
	[sflag:s8] =	ssyncadd.s32 @p0 $0xFFFFF700  }
0x7f: {  	[hbm:s10], [sflag:s7] =	dma.local @p0 [spmem:s9], $0x900  }
0x80: {  	_ =	swait.ge @p0 [sflag:s8], $0x900  }
0x81: {  	[sflag:s8] =	ssyncset.done @p0 $0x0  }
0x82: {  	s9 =	sshrl.u32 @p0 s21, $0x3;
	s10 =	rddreg [dreg:$0xb];
	[sflag:s8] =	ssyncadd.s32 @p0 $0xFFFFF700  }
0x83: {  	[hbm:s10], [sflag:s7] =	dma.local @p0 [spmem:s9], $0x900  }
0x84: {  	_ =	swait.ge @p0 [sflag:s8], $0x900  }
0x85: {  	[sflag:s8] =	ssyncset.done @p0 $0x0  }
0x86: {  	s9 =	sshrl.u32 @p0 s22, $0x3;
	s10 =	rddreg [dreg:$0xc];
	[sflag:s8] =	ssyncadd.s32 @p0 $0xFFFFF700  }
0x87: {  	[hbm:s10], [sflag:s7] =	dma.local @p0 [spmem:s9], $0x900  }
0x88: {  	_ =	swait.ge @p0 [sflag:s8], $0x900  }
0x89: {  	[sflag:s8] =	ssyncset.done @p0 $0x0  }
0x8a: {  	s9 =	rddreg [dreg:$0xd];
	[sflag:s8] =	ssyncadd.s32 @p0 $0xFFFFF700;
	s8 =	sshrl.u32 @p0 s23, $0x3  }
0x8b: {  	[hbm:s9], [sflag:s7] =	dma.local @p0 [spmem:s8], $0x900  }
0x8c: {  	s7 =	sshrl.u32 @!p0 s19, $0x3;
	s8 =	rddreg [dreg:$0x4]  }
0x8d: {  	[hbm:s8], [sflag:s17] =	dma.local @!p0 [spmem:s7], $0x900  }
0x8e: {  	s7 =	simm.s32 @!p0 $0x3  }
0x8f: {  	_ =	swait.ge @!p0 [sflag:s7], $0x900  }
0x90: {  	[sflag:s7] =	ssyncset.done @!p0 $0x0  }
0x91: {  	s8 =	sshrl.u32 @!p0 s20, $0x3;
	s9 =	rddreg [dreg:$0x5];
	[sflag:s7] =	ssyncadd.s32 @!p0 $0xFFFFF700  }
0x92: {  	[hbm:s9], [sflag:s17] =	dma.local @!p0 [spmem:s8], $0x900  }
0x93: {  	_ =	swait.ge @!p0 [sflag:s7], $0x900  }
0x94: {  	[sflag:s7] =	ssyncset.done @!p0 $0x0  }
0x95: {  	s8 =	sshrl.u32 @!p0 s21, $0x3;
	s9 =	rddreg [dreg:$0x6];
	[sflag:s7] =	ssyncadd.s32 @!p0 $0xFFFFF700  }
0x96: {  	[hbm:s9], [sflag:s17] =	dma.local @!p0 [spmem:s8], $0x900  }
0x97: {  	_ =	swait.ge @!p0 [sflag:s7], $0x900  }
0x98: {  	s6 =	sadd.s32 $0x1, s6;
	[sflag:s7] =	ssyncset.done @!p0 $0x0  }
0x99: {  	s8 =	sshrl.u32 @!p0 s22, $0x3;
	s9 =	rddreg [dreg:$0x7];
	[sflag:s7] =	ssyncadd.s32 @!p0 $0xFFFFF700  }
0x9a: {  	[hbm:s9], [sflag:s17] =	dma.local @!p0 [spmem:s8], $0x900  }
0x9b: {  	p1 =	sne.s32 s6, s18;
	_ =	swait.ge @!p0 [sflag:s7], $0x900  }
0x9c: {  	s8 =	sshrl.u32 @!p0 s23, $0x3;
	[sflag:s7] =	ssyncset.done @!p0 $0x0;
	s9 =	rddreg [dreg:$0x8]  }
.Ltmp1:
0x9d: {  	[sflag:s7] =	ssyncadd.s32 @!p0 $0xFFFFF700;
	s7 =	simm.s32 @p0 $0x4;
	(pc) =	sbr.rel @p1 .LBB2_1-.Ltmp1, $4  }
0x9e: {  	[hbm:s9], [sflag:s17] =	dma.local @!p0 [spmem:s8], $0x900  }
0x9f: {  	_ =	swait.ge [sflag:s7], $0x900  }
0xa0: {  	[sflag:s7] =	ssyncset.done $0x0  }
0xa1: {  	[sflag:s7] =	ssyncadd.s32 $0xFFFFF700  }
0xa2: {  	_ =	sfence.sel $0x180000  }
0xa3: {  	[bflag:$0x0] =	sbarrier.arrive $0xFFFF  }
0xa4: {  	_ =	strace $0x9000004A  }
0xa5: {  	s0 =	stileid.u32;
	[bflag:$0x2] =	sbarrier.arrive $0xFFFF  }
0xa6: {  	p0 =	sne.s32 s0, $0x0;
	s0 =	rddreg [dreg:$0x3]  }
0xa7: {  	s0 =	sadd.s32 @!p0 $0x100000, s0  }
0xa8: {  	[sflag:s0] =	ssyncadd.tile.s32 @!p0 $0x1;
	_ =	shalt  }
.Lfunc_end2:
_tile_overlayer_lowered:
.L_overlay_start_2:
0xa9: {  	(tag) =	ssettag $0x2  }
0xaa: {  	s0 =	rddreg [dreg:$0x0];
	s2 =	stileid.u32  }
0xab: {  	s1 =	rddreg [dreg:$0x1];
	p0 =	sne.s32 s2, $0x0  }
0xac: {  	s3 =	rddreg [dreg:$0x2];
	[bflag:$0x3] =	sbarrier.arrive $0xFFFF;
	s2 =	simm.s32 @!p0 $0x1C03  }
0xad: {  	[timem:s3], [sflag:s2] =	dma.local @!p0 [hbm:s0], s1  }
0xae: {  	s0 =	simm.s32 @!p0 $0x3  }
0xaf: {  	_ =	swait.ge @!p0 [sflag:s0], s1  }
0xb0: {  	s1 =	ssub.s32 @!p0 $0x0, s1;
	[sflag:s0] =	ssyncset.done @!p0 $0x0  }
0xb1: {  	[sflag:s0] =	ssyncadd.s32 @!p0 s1  }
0xb2: {  	[bflag:$0x3] =	sbarrier.arrive $0xFFFF  }
0xb3: {  	_ =	shalt  }

// kernel: kernel.7.cloned.1.call-start
scs
__scs_entry_jumppad:
0x0: {  	(pc) =	sbr.rel $0x88, $3  }
0x1: {  	(tag) =	ssettag $0x0;
	lr =	simm.s32 $0x1  }
0x2: {  	[smem:$0x3F83] =	sst lr;
	_ =	strace $0xD0000000  }
0x3: {  	_ = 	snop  }
0x4: {  	_ = 	snop  }
0x5: {  	_ = 	snop  }
0x6: {  	_ = 	snop  }
0x7: {  	_ = 	snop  }
__scs_overlays_trampoline_lowered:
0x8: {  	[smem:$0x3F92] =	sst s0  }
0x9: {  	[smem:$0x3F93] =	sst s1  }
0xa: {  	[smem:$0x3F94] =	sst s2  }
0xb: {  	[smem:$0x3F95] =	sst s3  }
0xc: {  	[smem:$0x3F96] =	sst s4  }
0xd: {  	[smem:$0x3F97] =	sst s5  }
0xe: {  	[smem:$0x3F98] =	sst s6  }
0xf: {  	[smem:$0x3F99] =	sst s7  }
0x10: {  	[smem:$0x3F9A] =	sst s8  }
0x11: {  	[smem:$0x3F9B] =	sst s9;
	s0 =	simm.s32 @!p0 $0x0  }
0x12: {  	s1 =	sld [smem:$0x3F81];
	s0 =	simm.s32 @p0 $0x1  }
0x13: {  	[smem:$0x3F9C] =	sst s0;
	s0 =	simm.s32 @!p1 $0x0  }
0x14: {  	s2 =	sld [smem:$0x3F80];
	s0 =	simm.s32 @p1 $0x1  }
0x15: {  	[smem:$0x3F9D] =	sst s0;
	s0 =	simm.s32 @!p2 $0x0  }
0x16: {  	s3 =	sld [smem:$0x3FDB];
	s0 =	simm.s32 @p2 $0x1  }
0x17: {  	s4 =	simm.s32 $0x1BF5;
	[smem:$0x3F9F] =	sst s0  }
0x18: {  	s0 =	sld [smem:$0x3F82];
	_ =	swait.ge [sflag:s4], $0x0  }
0x19: {  	s7 =	sld [smem:$0x3F83]  }
0x1a: {  	s8 =	sadd.s32 $0xFFFFE003, lr  }
0x1b: {  	s9 =	sadd.s32 $0xFFFFFEF7, lr;
	s5 =	simm.s32 $0xFFFFFFFF;
	p2 =	slt.u32 s8, $0xFFFFF086  }
0x1c: {  	p1 =	slt.u32 s9, $0xF7A;
	s5 =	simm.s32 @!p2 $0x0  }
0x1d: {  	s5 =	simm.s32 @p1 $0x1;
	p0 =	seq.s32 s7, s2  }
0x1e: {  	s7 =	smul.u32 @!p0 $0xF7A, s2;
	p2 =	seq.s32 @!p0 s5, $0x0  }
0x1f: {  	s9 =	smul.u32 $0xF7A, s1;
	s8 =	simm.s32 @!p0 $0x1BF5;
	p2 =	por !p2, p0  }
0x20: {  	[sflag:s8] =	ssyncset.s32 @!p0 $0xFFFFF086;
	s6 =	sadd.s32 @!p0 s3, s7;
	s7 =	simm.s32 @!p0 $0x108  }
0x21: {  	s3 =	sadd.s32 s3, s9;
	s6 =	sadd.s32 @!p0 $0x88, s6;
	s7 =	simm.s32 @p2 $0x1082  }
0x22: {  	[simem:s7], [sflag:s8] =	dma.local @!p0 [hbm:s6], $0xF7A  }
0x23: {  	s9 =	sor.u32 $0xD0000000, s2;
	s6 =	simm.s32 $0x108;
	_ =	swait.ge @!p0 [sflag:s8], $0x0  }
0x24: {  	s3 =	sadd.s32 $0x88, s3;
	s6 =	simm.s32 @!p1 $0x1082;
	[sflag:s4] =	ssyncset.s32 $0xFFFFF086  }
0x25: {  	[simem:s6], [sflag:s4] =	dma.local [hbm:s3], $0xF7A  }
0x26: {  	[smem:$0x3F83] =	sst s1;
	(tag) =	ssettag s2;
	_ =	strace s9  }
0x27: {  	s1 =	sld [smem:$0x3F93]  }
0x28: {  	s2 =	sld [smem:$0x3F94]  }
0x29: {  	s4 =	sld [smem:$0x3F96]  }
0x2a: {  	p0 =	seq.s32 s5, $0x0;
	s5 =	sld [smem:$0x3F97]  }
0x2b: {  	s6 =	sld [smem:$0x3F98]  }
0x2c: {  	s7 =	sld [smem:$0x3F99]  }
0x2d: {  	s3 =	simm.s32 $0x108;
	s8 =	sld [smem:$0x3F9A]  }
0x2e: {  	s3 =	simm.s32 @!p0 $0x1082;
	s9 =	sld [smem:$0x3F9B]  }
0x2f: {  	lr =	sadd.s32 s0, s3;
	s0 =	sld [smem:$0x3F92]  }
0x30: {  	s3 =	sld [smem:$0x3F95]  }
0x31: {  	[smem:$0x3F9E] =	sst s10  }
0x32: {  	s10 =	sld [smem:$0x3F9C];
	_ =	sdelay $0x3  }
0x33: {  	p0 =	seq.s32 s10, $0x1;
	s10 =	sld [smem:$0x3F9E];
	_ =	sdelay $0x3  }
0x34: {  	[smem:$0x3F9E] =	sst s10  }
0x35: {  	s10 =	sld [smem:$0x3F9D];
	_ =	sdelay $0x3  }
0x36: {  	p1 =	seq.s32 s10, $0x1;
	s10 =	sld [smem:$0x3F9E];
	_ =	sdelay $0x3  }
0x37: {  	[smem:$0x3F9E] =	sst s10  }
0x38: {  	s10 =	sld [smem:$0x3F9F]  }
0x39: {  	_ = 	snop;
	(pc) =	sbr.ind lr, $3  }
0x3a: {  	_ = 	snop  }
0x3b: {  	_ = 	snop  }
0x3c: {  	p2 =	seq.s32 s10, $0x1;
	s10 =	sld [smem:$0x3F9E]  }
0x3d: {  	_ =	shalt  }
0x3e: {  	_ =	shalt  }
0x3f: {  	_ =	shalt  }
0x40: {  	_ =	shalt  }
0x41: {  	_ =	shalt  }
0x42: {  	_ =	shalt  }
0x43: {  	_ =	shalt  }
0x44: {  	_ =	shalt  }
0x45: {  	_ =	shalt  }
0x46: {  	_ =	shalt  }
0x47: {  	_ =	shalt  }
0x48: {  	_ =	shalt  }
0x49: {  	_ =	shalt  }
0x4a: {  	_ =	shalt  }
0x4b: {  	_ =	shalt  }
0x4c: {  	_ =	shalt  }
0x4d: {  	_ =	shalt  }
0x4e: {  	_ =	shalt  }
0x4f: {  	_ =	shalt  }
0x50: {  	_ =	shalt  }
0x51: {  	_ =	shalt  }
0x52: {  	_ =	shalt  }
0x53: {  	_ =	shalt  }
0x54: {  	_ =	shalt  }
0x55: {  	_ =	shalt  }
0x56: {  	_ =	shalt  }
0x57: {  	_ =	shalt  }
0x58: {  	_ =	shalt  }
0x59: {  	_ =	shalt  }
0x5a: {  	_ =	shalt  }
0x5b: {  	_ =	shalt  }
0x5c: {  	_ =	shalt  }
0x5d: {  	_ =	shalt  }
0x5e: {  	_ =	shalt  }
0x5f: {  	_ =	shalt  }
0x60: {  	_ =	shalt  }
0x61: {  	_ =	shalt  }
0x62: {  	_ =	shalt  }
0x63: {  	_ =	shalt  }
0x64: {  	_ =	shalt  }
0x65: {  	_ =	shalt  }
0x66: {  	_ =	shalt  }
0x67: {  	_ =	shalt  }
0x68: {  	_ =	shalt  }
0x69: {  	_ =	shalt  }
0x6a: {  	_ =	shalt  }
0x6b: {  	_ =	shalt  }
0x6c: {  	_ =	shalt  }
0x6d: {  	_ =	shalt  }
0x6e: {  	_ =	shalt  }
0x6f: {  	_ =	shalt  }
0x70: {  	_ =	shalt  }
0x71: {  	_ =	shalt  }
0x72: {  	_ =	shalt  }
0x73: {  	_ =	shalt  }
0x74: {  	_ =	shalt  }
0x75: {  	_ =	shalt  }
0x76: {  	_ =	shalt  }
0x77: {  	_ =	shalt  }
0x78: {  	_ =	shalt  }
0x79: {  	_ =	shalt  }
0x7a: {  	_ =	shalt  }
0x7b: {  	_ =	shalt  }
0x7c: {  	_ =	shalt  }
0x7d: {  	_ =	shalt  }
0x7e: {  	_ =	shalt  }
0x7f: {  	_ =	shalt  }
0x80: {  	_ =	shalt  }
0x81: {  	_ =	shalt  }
0x82: {  	_ =	shalt  }
0x83: {  	_ =	shalt  }
0x84: {  	_ =	shalt  }
0x85: {  	_ =	shalt  }
0x86: {  	_ =	shalt  }
0x87: {  	_ =	shalt  }
.Lfunc_end0:
.L_simem_size_0:
called_computation_lowered:
.L_overlay_start_0:
0x88: {  	s2 =	sld [smem:$0x3FD9]  }
0x89: {  	s3 =	sld [smem:$0x3FFE];
	_ =	sdelay $0x1  }
0x8a: {  	s1 =	srdreg.scid  }
0x8b: {  	s0 =	sand.u32 $0x1, s1  }
0x8c: {  	s17 =	sshll.u32 s0, $0xA;
	s2 =	sadd.s32 s3, s2  }
0x8d: {  	s2 =	sadd.s32 s2, s17  }
0x8e: {  	[smem:$0x3FAA] =	sst s2  }
0x8f: {  	_ = 	snop  }
0x90: {  	s2 =	sld [smem:$0x3FD0];
	(tm) =	ssettm $0x1  }
0x91: {  	s18 =	sld [smem:$0x3FFB];
	_ =	sdelay $0x3  }
0x92: {  	_ =	strace s18  }
0x93: {  	s3 =	sld [smem:$0x3FFC];
	_ =	sdelay $0x3  }
0x94: {  	_ =	strace s3  }
0x95: {  	s3 =	sld [smem:$0x3FFD];
	_ =	sdelay $0x3  }
0x96: {  	_ =	strace s3  }
0x97: {  	_ =	strace $0x8FFFFFFF  }
0x98: {  	s19 =	sld [smem:$0x3FDB];
	_ =	sdelay $0x1  }
0x99: {  	s4 =	simm.s32 $_scs_section_size  }
0x9a: {  	s5 =	simm.s32 $_size__tile_overlayer_lowered;
	s6 =	simm.s32 $_tile_overlayer_lowered  }
0x9b: {  	s22 =	simm.s32 $0x1BFF;
	s21 =	sshll.u32 s6, $0x1;
	s3 =	sadd.s32 s4, s19  }
0x9c: {  	s7 =	simm.s32 $0x0;
	s20 =	sshll.u32 s5, $0x1;
	s5 =	sadd.s32 s21, s3  }
0x9d: {  	[timem:s7], [sflag:s22] =	dma.local [hbm:s5], s20  }
0x9e: {  	_ =	swait.ge [sflag:s22], s20  }
0x9f: {  	s4 =	ssub.s32 $0x0, s20;
	[sflag:s22] =	ssyncset.done $0x0  }
0xa0: {  	[sflag:s22] =	ssyncadd.s32 s4;
	_ =	sdelay $0x1  }
0xa1: {  	s23 =	simm.s32 $0x1B8B  }
0xa2: {  	_ =	swait.ge [sflag:s23], $0x1  }
0xa3: {  	[sflag:s23] =	ssyncset.done $0x0  }
0xa4: {  	s25 =	simm.s32 $0x1B8E;
	s24 =	sld [smem:$0x3FFE];
	[sflag:s23] =	ssyncadd.s32 $0xFFFFFFFF  }
0xa5: {  	s26 =	simm.s32 $execute0_lowered;
	[smem:$0x3FD2] =	sst s25  }
0xa6: {  	s5 =	sshll.u32 s26, $0x1;
	_ =	strace $0x80000046;
	[dreg:$0x1] =	wrdreg $0xFFFFFFFF  }
0xa7: {  	s28 =	simm.s32 $_size_execute0_lowered;
	s3 =	sadd.s32 s3, s5;
	[dreg:$0x0] =	wrdreg $0x0  }
0xa8: {  	s5 =	sshll.u32 s28, $0x1;
	[dreg:$0x2] =	wrdreg s3  }
0xa9: {  	[dreg:$0x3] =	wrdreg s5  }
0xaa: {  	[dreg:$0x4] =	wrdreg $0xC0  }
0xab: {  	_ =	task [dreg:s7], $0x5FFFF  }
0xac: {  	[dreg:$0x1] =	wrdreg $0xFFFFFFFF  }
0xad: {  	[dreg:$0x0] =	wrdreg $0x60  }
0xae: {  	[dreg:$0x2] =	wrdreg s2  }
0xaf: {  	[dreg:$0x3] =	wrdreg s24  }
0xb0: {  	[dreg:$0x4] =	wrdreg $0x9  }
0xb1: {  	_ =	task.clear_ibuf [dreg:s7], $0x5FFFF;
	_ =	strace $0x90000046  }
0xb2: {  	s29 =	simm.s32 $0x9;
	_ =	strace $0x80000048  }
0xb3: {  	_ =	swait.ge [sflag:s29], $0x1  }
0xb4: {  	[sflag:s29] =	ssyncadd.s32 $0xFFFFFFFF  }
0xb5: {  	_ =	strace $0x90000048  }
0xb6: {  	_ =	sfence  }
0xb7: {  	s30 =	sld [smem:$0x0];
	_ =	sdelay $0x2  }
0xb8: {  	s31 =	sshll.u32 s1, $0xD;
	s1 =	sshrl.u32 s1, $0x2  }
0xb9: {  	s3 =	sand.u32 $0x4000, s31;
	s1 =	sadd.s32 s1, s30  }
0xba: {  	s0 =	sor.u32 s3, s0;
	s1 =	sshll.u32 s1, $0x11  }
0xbb: {  	s0 =	sor.u32 s1, s0  }
0xbc: {  	s0 =	sadd.s32 $0x8F2B, s0  }
0xbd: {  	[sflag:s0] =	ssyncadd.remote.s32 $0x1  }
0xbe: {  	_ =	sfence.sel $0xFFFF  }
0xbf: {  	[dreg:$0x0] =	wrdreg $0xFFFFFFFF;
	(pc) =	sbr.abs _section_cstart, $3  }
0xc0: {  	[dreg:$0x1] =	wrdreg $0xFFFFFFFF  }
0xc1: {  	_ =	task.clear_ibuf [dreg:s7], $0x2FFFF;
	_ =	strace $0x9FFFFFFF  }
0xc2: {  	(tm) =	ssettm $0x7FFFFFFF  }
0xc3: {  	_ =	shalt  }
tec
execute0_lowered:
.L_overlay_start_1:
0x0: {  	(tag) =	ssettag $0x1  }
0x1: {  	s2 =	rddreg [dreg:$0x0];
	s1 =	srdreg.scid  }
0x2: {  	s0 =	stileid.u32;
	s5 =	rddreg [dreg:$0x1];
	s3 =	simm.s32 $0x0  }
0x3: {  	s14 =	simm.s32 $0x10000;
	s16 =	simm.s32 $0x1480;
	s17 =	simm.s32 $0x12800  }
0x4: {  	s18 =	simm.s32 $0x100;
	s19 =	simm.s32 $0xB800;
	s20 =	simm.s32 $0x1500  }
0x5: {  	s21 =	simm.s32 $0x15000;
	s22 =	simm.s32 $0x1;
	s8 =	smul.u32 $0x2D000, s0  }
0x6: {  	s23 =	simm.s32 $0x4;
	s6 =	sand.u32 $0x1, s1;
	s9 =	smul.u32 $0x19000, s0  }
0x7: {  	s24 =	simm.s32 $0x0;
	s4 =	sshll.u32 s0, $0x1;
	s11 =	smul.u32 $0xC800, s6  }
0x8: {  	[smem:$0x7FF] =	sst s3;
	s4 =	sor.u32 s6, s4;
	s13 =	smul.u32 $0x16800, s6  }
0x9: {  	_ =	strace $0x80000047;
	s10 =	ssub.s32 $0x2, s6;
	s7 =	smul.u32 $0x1400, s4  }
0xa: {  	s4 =	sadd.s32 $0xBA600, s5;
	s12 =	sshrl.u32 s10, $0x1;
	s9 =	sadd.s32 s9, s5  }
0xb: {  	s8 =	sadd.s32 s8, s5;
	s10 =	ssub.s32 s10, s12;
	s9 =	sadd.s32 s11, s9  }
0xc: {  	s31 =	sadd.s32 s13, s8;
	s11 =	simm.s32 $0x1400;
	s7 =	sshrl.u32 s7, $0x3  }
0xd: {  	s12 =	simm.s32 $0x80;
	s13 =	simm.s32 $0x2800;
	s7 =	sadd.s32 s7, s5  }
0xe: {  	s8 =	sadd.s32 $0x3A4000, s9;
	s9 =	sadd.s32 $0xD4800, s31;
	s5 =	sadd.s32 $0x88600, s7  }
0xf: {  	s6 =	sadd.s32 $0x7E600, s7;
	s7 =	smax.u32 s10, $0x1;
	s10 =	simm.s32 $0x7  }
.LBB2_1:
0x10: {  	[tilespmem:s3], [sflag:$0x7] =	stream.linear.gather [hbm4b:s5+s3], $0x1400, $0x38;
	[tilespmem:$0x17800] =	vst v63  }
0x11: {  	_ =	swait.ge [sflag:s10], $0x1400  }
0x12: {  	[sflag:s10] =	ssyncset.done $0x0  }
0x13: {  	[sflag:s10] =	ssyncadd.s32 $0xFFFFEC00  }
0x14: {  	[tilespmem:s11], [sflag:$0x7] =	stream.linear.gather [hbm4b:s6+s3], $0x1400, $0x38;
	[tilespmem:$0x17800] =	vst v63  }
0x15: {  	_ =	swait.ge [sflag:s10], $0x1400  }
0x16: {  	[sflag:s10] =	ssyncset.done $0x0  }
0x17: {  	[sflag:s10] =	ssyncadd.s32 $0xFFFFEC00  }
0x18: {  	[tilespmem:s13], [sflag:$0x1] =	stream.indirect.gather [hbm4b:s2+s12], $0x90, s3, s12, $0xb8;
	[tilespmem:$0x17800] =	vst v63  }
0x19: {  	_ = 	snop  }
0x1a: {  	[tilespmem:s14], [sflag:$0x1] =	stream.indirect.gather [hbm4b:s4+s12], $0x50, s11, s12, $0xb8;
	[tilespmem:$0x17800] =	vst v63  }
0x1b: {  	s0 =	simm.s32 $0x7000  }
0x1c: {  	[tilespmem:s0], [sflag:$0x2] =	stream.indirect.gather [hbm4b:s2+s12], $0x90, s12, s12, $0xb8;
	[tilespmem:$0x17800] =	vst v63  }
0x1d: {  	_ = 	snop  }
0x1e: {  	[tilespmem:s17], [sflag:$0x2] =	stream.indirect.gather [hbm4b:s4+s12], $0x50, s16, s12, $0xb8;
	[tilespmem:$0x17800] =	vst v63  }
0x1f: {  	s25 =	smov.u32 s9  }
0x20: {  	[tilespmem:s19], [sflag:$0x3] =	stream.indirect.gather [hbm4b:s2+s12], $0x90, s18, s12, $0xb8;
	[tilespmem:$0x17800] =	vst v63  }
0x21: {  	s26 =	smov.u32 s8;
	s28 =	simm.s32 $0x0;
	s29 =	simm.s32 $0x0  }
0x22: {  	[tilespmem:s21], [sflag:$0x3] =	stream.indirect.gather [hbm4b:s4+s12], $0x50, s20, s12, $0xb8;
	[tilespmem:$0x17800] =	vst v63  }
.LBB2_2:
0x23: {  	_ =	swait.ge [sflag:s22], $0x4800  }
0x24: {  	[sflag:s22] =	ssyncset.done $0x0  }
0x25: {  	[sflag:s22] =	ssyncadd.s32 $0xFFFFB800  }
0x26: {  	_ =	swait.ge [sflag:s22], $0x2800  }
0x27: {  	[sflag:s22] =	ssyncset.done $0x0  }
0x28: {  	s30 =	sadd.s32 $0xFFFFEE00, s25;
	[sflag:s22] =	ssyncadd.s32 $0xFFFFD800  }
0x29: {  	[hbm4b:s30+s3] =	stream.linear.scatter [tilespmem:s13], [sflag:$0x4], $0x4800, $0x38;
	[tilespmem:$0x17800] =	vst v63  }
0x2a: {  	s31 =	sadd.s32 $0xFFFFF600, s26  }
0x2b: {  	[hbm4b:s31+s3] =	stream.linear.scatter [tilespmem:s14], [sflag:$0x4], $0x2800, $0x38;
	[tilespmem:$0x17800] =	vst v63  }
0x2c: {  	_ =	swait.ge [sflag:s23], $0x4800  }
0x2d: {  	[sflag:s23] =	ssyncset.done $0x0  }
0x2e: {  	[sflag:s23] =	ssyncadd.s32 $0xFFFFB800  }
0x2f: {  	p0 =	seq.s32 s28, $0x4E00;
	_ =	swait.ge [sflag:s23], $0x2800  }
0x30: {  	s1 =	simm.s32 @!p0 $0x80;
	s30 =	sshra.s32 @!p0 s28, $0x2;
	[sflag:s23] =	ssyncset.done $0x0  }
0x31: {  	s0 =	simm.s32 @!p0 $0x2800;
	s31 =	sadd.s32 @!p0 $0x180, s30;
	[sflag:s23] =	ssyncadd.s32 $0xFFFFD800  }
0x32: {  	[tilespmem:s0], [sflag:$0x1] =	stream.indirect.gather @!p0 [hbm4b:s2+s1], $0x90, s31, s1, $0xb8;
	[tilespmem:$0x17800] =	vst v63  }
0x33: {  	s0 =	sadd.s32 @!p0 $0x1580, s30;
	s30 =	simm.s32 @!p0 $0x10000  }
0x34: {  	[tilespmem:s30], [sflag:$0x1] =	stream.indirect.gather @!p0 [hbm4b:s4+s1], $0x50, s0, s1, $0xb8;
	[tilespmem:$0x17800] =	vst v63  }
0x35: {  	s0 =	simm.s32 @!p0 $0x2  }
0x36: {  	_ =	swait.ge @!p0 [sflag:s0], $0x4800  }
0x37: {  	[sflag:s0] =	ssyncset.done @!p0 $0x0  }
0x38: {  	[sflag:s0] =	ssyncadd.s32 @!p0 $0xFFFFB800  }
0x39: {  	_ =	swait.ge @!p0 [sflag:s0], $0x2800  }
0x3a: {  	s1 =	simm.s32 @!p0 $0x0;
	[sflag:s0] =	ssyncset.done @!p0 $0x0  }
0x3b: {  	s30 =	simm.s32 @!p0 $0x7000;
	[sflag:s0] =	ssyncadd.s32 @!p0 $0xFFFFD800;
	s0 =	sadd.s32 @!p0 $0xFFFFF700, s25  }
0x3c: {  	[hbm4b:s0+s1] =	stream.linear.scatter @!p0 [tilespmem:s30], [sflag:$0x5], $0x4800, $0x38;
	[tilespmem:$0x17800] =	vst v63  }
0x3d: {  	s0 =	sadd.s32 @!p0 $0xFFFFFB00, s26;
	s30 =	simm.s32 @!p0 $0x12800  }
0x3e: {  	[hbm4b:s0+s1] =	stream.linear.scatter @!p0 [tilespmem:s30], [sflag:$0x5], $0x2800, $0x38;
	[tilespmem:$0x17800] =	vst v63  }
0x3f: {  	s0 =	simm.s32 @!p0 $0x5  }
0x40: {  	_ =	swait.ge @!p0 [sflag:s0], $0x4800  }
0x41: {  	[sflag:s0] =	ssyncset.done @!p0 $0x0  }
0x42: {  	[sflag:s0] =	ssyncadd.s32 @!p0 $0xFFFFB800  }
0x43: {  	p1 =	sgt.u32 @!p0 s29, $0xB;
	_ =	swait.ge @!p0 [sflag:s0], $0x2800  }
0x44: {  	p1 =	por p1, p0;
	[sflag:s0] =	ssyncset.done @!p0 $0x0  }
0x45: {  	[sflag:s0] =	ssyncadd.s32 @!p0 $0xFFFFD800;
	s0 =	sshra.s32 @!p1 s28, $0x2  }
0x46: {  	s15 =	simm.s32 @!p1 $0x7000;
	s31 =	simm.s32 @!p1 $0x80;
	s30 =	sadd.s32 @!p1 $0x200, s0  }
0x47: {  	[tilespmem:s15], [sflag:$0x2] =	stream.indirect.gather @!p1 [hbm4b:s2+s31], $0x90, s30, s31, $0xb8;
	[tilespmem:$0x17800] =	vst v63  }
0x48: {  	s15 =	sadd.s32 @!p1 $0x1600, s0;
	s30 =	simm.s32 @!p1 $0x12800  }
0x49: {  	[tilespmem:s30], [sflag:$0x2] =	stream.indirect.gather @!p1 [hbm4b:s4+s31], $0x50, s15, s31, $0xb8;
	[tilespmem:$0x17800] =	vst v63  }
0x4a: {  	s15 =	simm.s32 @!p0 $0x3  }
0x4b: {  	_ =	swait.ge @!p0 [sflag:s15], $0x4800  }
0x4c: {  	[sflag:s15] =	ssyncset.done @!p0 $0x0  }
0x4d: {  	[sflag:s15] =	ssyncadd.s32 @!p0 $0xFFFFB800  }
0x4e: {  	_ =	swait.ge @!p0 [sflag:s15], $0x2800  }
0x4f: {  	[sflag:s15] =	ssyncset.done @!p0 $0x0  }
0x50: {  	[sflag:s15] =	ssyncadd.s32 @!p0 $0xFFFFD800;
	s15 =	simm.s32 @!p0 $0xB800  }
0x51: {  	[hbm4b:s25+s1] =	stream.linear.scatter @!p0 [tilespmem:s15], [sflag:$0x6], $0x4800, $0x38;
	[tilespmem:$0x17800] =	vst v63  }
0x52: {  	s15 =	simm.s32 @!p0 $0x15000  }
0x53: {  	[hbm4b:s26+s1] =	stream.linear.scatter @!p0 [tilespmem:s15], [sflag:$0x6], $0x2800, $0x38;
	[tilespmem:$0x17800] =	vst v63  }
0x54: {  	s1 =	simm.s32 @!p0 $0x6  }
0x55: {  	_ =	swait.ge @!p0 [sflag:s1], $0x4800  }
0x56: {  	[sflag:s1] =	ssyncset.done @!p0 $0x0  }
0x57: {  	[sflag:s1] =	ssyncadd.s32 @!p0 $0xFFFFB800  }
0x58: {  	_ =	swait.ge @!p0 [sflag:s1], $0x2800  }
0x59: {  	[sflag:s1] =	ssyncset.done @!p0 $0x0  }
0x5a: {  	s15 =	simm.s32 @!p1 $0xB800;
	[sflag:s1] =	ssyncadd.s32 @!p0 $0xFFFFD800;
	s1 =	sadd.s32 @!p1 $0x280, s0  }
0x5b: {  	[tilespmem:s15], [sflag:$0x3] =	stream.indirect.gather @!p1 [hbm4b:s2+s31], $0x90, s1, s31, $0xb8;
	[tilespmem:$0x17800] =	vst v63  }
0x5c: {  	s28 =	sadd.s32 @!p0 $0x600, s28;
	s0 =	sadd.s32 @!p1 $0x1680, s0;
	s1 =	simm.s32 @!p1 $0x15000  }
0x5d: {  	[tilespmem:s1], [sflag:$0x3] =	stream.indirect.gather @!p1 [hbm4b:s4+s31], $0x50, s0, s31, $0xb8;
	[tilespmem:$0x17800] =	vst v63  }
0x5e: {  	p1 =	sne.s32 @!p0 s28, $0x5400  }
0x5f: {  	p1 =	por p0, !p1  }
.Ltmp0:
0x60: {  	_ = 	snop;
	(pc) =	sbr.rel @!p1 .LBB2_2-.Ltmp0, $2  }
0x61: {  	_ =	sdelay $0x2  }
0x62: {  	s29 =	sadd.s32 @!p0 $0x1, s29;
	s25 =	sadd.s32 @!p0 $0x1B00, s25;
	s26 =	sadd.s32 @!p0 $0xF00, s26  }
0x63: {  	s24 =	sadd.s32 $0x1, s24  }
0x64: {  	p0 =	sne.s32 s24, s7  }
.Ltmp1:
0x65: {  	_ = 	snop;
	(pc) =	sbr.rel @p0 .LBB2_1-.Ltmp1, $1  }
0x66: {  	_ =	sdelay $0x3  }
0x67: {  	_ =	sfence.sel $0x180000  }
0x68: {  	[bflag:$0x0] =	sbarrier.arrive $0xFFFF  }
0x69: {  	_ =	strace $0x90000047  }
0x6a: {  	s0 =	stileid.u32;
	[bflag:$0x2] =	sbarrier.arrive $0xFFFF  }
0x6b: {  	p0 =	sne.s32 s0, $0x0;
	s0 =	rddreg [dreg:$0x2]  }
0x6c: {  	s0 =	sadd.s32 @!p0 $0x100000, s0  }
0x6d: {  	[sflag:s0] =	ssyncadd.tile.s32 @!p0 $0x1;
	_ =	shalt  }
.Lfunc_end2:
_tile_overlayer_lowered:
.L_overlay_start_2:
0x6e: {  	(tag) =	ssettag $0x2  }
0x6f: {  	s0 =	rddreg [dreg:$0x0];
	s2 =	stileid.u32  }
0x70: {  	s1 =	rddreg [dreg:$0x1];
	p0 =	sne.s32 s2, $0x0  }
0x71: {  	s3 =	rddreg [dreg:$0x2];
	[bflag:$0x3] =	sbarrier.arrive $0xFFFF;
	s2 =	simm.s32 @!p0 $0x1C07  }
0x72: {  	[timem:s3], [sflag:s2] =	dma.local @!p0 [hbm:s0], s1  }
0x73: {  	s0 =	simm.s32 @!p0 $0x7  }
0x74: {  	_ =	swait.ge @!p0 [sflag:s0], s1  }
0x75: {  	s1 =	ssub.s32 @!p0 $0x0, s1;
	[sflag:s0] =	ssyncset.done @!p0 $0x0  }
0x76: {  	[sflag:s0] =	ssyncadd.s32 @!p0 s1  }
0x77: {  	[bflag:$0x3] =	sbarrier.arrive $0xFFFF  }
0x78: {  	_ =	shalt  }

</sc_bundles>
